<compile_context>
chip_gen: v7x
topology: tpu7x:2x2x1
jax: 0.10.2.dev20260603
libtpu: 0.0.44.dev20260713+nightly
codegen_flags: <defaults>
</compile_context>

<pallas_src>
import functools

import jax
import jax.numpy as jnp
from jax.experimental import pallas as pl
from jax.experimental.pallas import tpu as pltpu
from jax.experimental.pallas import tpu_sc as plsc

_R = 32
_D = 4
_A = 64


def _build():
    mesh = plsc.ScalarSubcoreMesh(axis_name="c", num_cores=1)

    @functools.partial(
        pl.kernel,
        mesh=mesh,
        out_type=jax.ShapeDtypeStruct((_A,), jnp.float32),
        scratch_types=[
            pltpu.SMEM((_D,), jnp.float32),
            pltpu.SMEM((_R * _D,), jnp.float32),
            pltpu.SemaphoreType.DMA,
            pltpu.SemaphoreType.DMA,
        ],
    )
    def table_lookup(x_hbm, grid_hbm, q_hbm, out_hbm, x_s, g_s, sem_x, sem_g):
        cp_x = pltpu.async_copy(x_hbm, x_s, sem_x)
        cp_g = pltpu.async_copy(grid_hbm, g_s, sem_g)
        cp_x.wait()
        cp_g.wait()
        flat = None
        for d in range(_D):
            xd = x_s[d]
            cnt = None
            for i in range(_R):
                b = (g_s[i * _D + d] <= xd).astype(jnp.int32)
                cnt = b if cnt is None else cnt + b
            flat = cnt if flat is None else flat * _R + cnt
        pltpu.sync_copy(q_hbm.at[flat], out_hbm)

    return table_lookup


_lookup = _build()


def kernel(x, obs_grid, q_values):
    return _lookup(x, obs_grid.reshape(_R * _D), q_values.reshape(_R ** _D, _A))

# --- scband reference (transcript-rebuilt; emitter-appended) ---
"""Pipeline reference for scband-table-79096117723393 (READ-ONLY COPY).

The authoritative reference and input builder live on the scoring server;
editing this copy changes nothing except your own understanding.
"""

import jax, jax.numpy as jnp
import numpy as np

OBS_LOW = np.array([-1.0, -1.0, -1.0, -1.0], dtype=np.float32)
OBS_HIGH = np.array([1.0, 1.0, 1.0, 1.0], dtype=np.float32)
OBS_RESOLUTION = 32
NUM_ACTIONS = 64
INIT_VALUE = 0.0


def setup_inputs(seed: int = 0) -> dict:
    key = jax.random.key(seed)
    x = jax.random.uniform(key, (4,), dtype=jnp.float32)
    # Learned/stateful parameters per __init__
    obs_grid = jnp.linspace(jnp.asarray(OBS_LOW), jnp.asarray(OBS_HIGH), OBS_RESOLUTION)  # (32, 4)
    shape = (OBS_RESOLUTION,) * OBS_LOW.shape[0]
    q_values = jnp.ones((*shape, NUM_ACTIONS), dtype=jnp.float32) * INIT_VALUE  # (32,32,32,32,64)
    return {"x": x, "obs_grid": obs_grid, "q_values": q_values}


def reference(x, obs_grid, q_values):
    # Faithful translation of Table.__call__
    # Bin each obs dim: first grid point strictly greater than x
    idxs = (x < obs_grid).argmax(axis=0)  # (4,) int
    # Multi-dim gather into the Q table -> (num_actions,)
    return q_values[tuple(idxs)]

if __name__ == "__main__":
    import jax
    _d = setup_inputs()
    print(jax.jit(kernel)(*tuple(_d.values())))

</pallas_src>

<mosaic_0001>
#map = affine_map<(d0) -> (0)>
#map1 = affine_map<(d0) -> (0, 0)>
module attributes {stable_mosaic.version = 14 : i64} {
  func.func @table_lookup(%arg0: i32, %arg1: memref<4xf32, #tpu.memory_space<hbm>>, %arg2: memref<128xf32, #tpu.memory_space<hbm>>, %arg3: memref<1048576x64xf32, #tpu.memory_space<hbm>>, %arg4: memref<64xf32, #tpu.memory_space<hbm>>, %arg5: memref<4xf32, #tpu.memory_space<smem>>, %arg6: memref<128xf32, #tpu.memory_space<smem>>, %arg7: memref<!tpu.dma_semaphore, #tpu.memory_space<semaphore_mem>>, %arg8: memref<!tpu.dma_semaphore, #tpu.memory_space<semaphore_mem>>) attributes {dimension_semantics = [#tpu.dimension_semantics<core_parallel>], iteration_bounds = array<i64: 1>, scalar_prefetch = 0 : i64, scratch_operands = 4 : i64, tpu.core_type = #tpu.core_type<sc_scalar_subcore>, window_params = [{transform_indices = #map}, {transform_indices = #map}, {transform_indices = #map1}, {transform_indices = #map}]} {
    tpu.enqueue_dma source(%arg1 : memref<4xf32, #tpu.memory_space<hbm>>) target(%arg5 : memref<4xf32, #tpu.memory_space<smem>>) target_semaphore(%arg7 : memref<!tpu.dma_semaphore, #tpu.memory_space<semaphore_mem>>)
    tpu.enqueue_dma source(%arg2 : memref<128xf32, #tpu.memory_space<hbm>>) target(%arg6 : memref<128xf32, #tpu.memory_space<smem>>) target_semaphore(%arg8 : memref<!tpu.dma_semaphore, #tpu.memory_space<semaphore_mem>>)
    tpu.wait_dma2 semaphore(%arg7 : memref<!tpu.dma_semaphore, #tpu.memory_space<semaphore_mem>>) src(%arg1 : memref<4xf32, #tpu.memory_space<hbm>>) dst(%arg5 : memref<4xf32, #tpu.memory_space<smem>>)
    tpu.wait_dma2 semaphore(%arg8 : memref<!tpu.dma_semaphore, #tpu.memory_space<semaphore_mem>>) src(%arg2 : memref<128xf32, #tpu.memory_space<hbm>>) dst(%arg6 : memref<128xf32, #tpu.memory_space<smem>>)
    %get3A = arith.constant 0 : i32
    %get3A_0 = arith.index_cast %get3A : i32 to index
    %get3A_1 = memref.load %arg5[%get3A_0] : memref<4xf32, #tpu.memory_space<smem>>
    %get3A_2 = arith.constant 0 : i32
    %get3A_3 = arith.index_cast %get3A_2 : i32 to index
    %get3A_4 = memref.load %arg6[%get3A_3] : memref<128xf32, #tpu.memory_space<smem>>
    %le3A = arith.cmpf ole, %get3A_4, %get3A_1 : f32
    %convert_element_type3A = arith.extui %le3A : i1 to i32
    %get3A_5 = arith.constant 4 : i32
    %get3A_6 = arith.index_cast %get3A_5 : i32 to index
    %get3A_7 = memref.load %arg6[%get3A_6] : memref<128xf32, #tpu.memory_space<smem>>
    %le3A_8 = arith.cmpf ole, %get3A_7, %get3A_1 : f32
    %convert_element_type3A_9 = arith.extui %le3A_8 : i1 to i32
    %add3A = arith.addi %convert_element_type3A, %convert_element_type3A_9 : i32
    %get3A_10 = arith.constant 8 : i32
    %get3A_11 = arith.index_cast %get3A_10 : i32 to index
    %get3A_12 = memref.load %arg6[%get3A_11] : memref<128xf32, #tpu.memory_space<smem>>
    %le3A_13 = arith.cmpf ole, %get3A_12, %get3A_1 : f32
    %convert_element_type3A_14 = arith.extui %le3A_13 : i1 to i32
    %add3A_15 = arith.addi %add3A, %convert_element_type3A_14 : i32
    %get3A_16 = arith.constant 12 : i32
    %get3A_17 = arith.index_cast %get3A_16 : i32 to index
    %get3A_18 = memref.load %arg6[%get3A_17] : memref<128xf32, #tpu.memory_space<smem>>
    %le3A_19 = arith.cmpf ole, %get3A_18, %get3A_1 : f32
    %convert_element_type3A_20 = arith.extui %le3A_19 : i1 to i32
    %add3A_21 = arith.addi %add3A_15, %convert_element_type3A_20 : i32
    %get3A_22 = arith.constant 16 : i32
    %get3A_23 = arith.index_cast %get3A_22 : i32 to index
    %get3A_24 = memref.load %arg6[%get3A_23] : memref<128xf32, #tpu.memory_space<smem>>
    %le3A_25 = arith.cmpf ole, %get3A_24, %get3A_1 : f32
    %convert_element_type3A_26 = arith.extui %le3A_25 : i1 to i32
    %add3A_27 = arith.addi %add3A_21, %convert_element_type3A_26 : i32
    %get3A_28 = arith.constant 20 : i32
    %get3A_29 = arith.index_cast %get3A_28 : i32 to index
    %get3A_30 = memref.load %arg6[%get3A_29] : memref<128xf32, #tpu.memory_space<smem>>
    %le3A_31 = arith.cmpf ole, %get3A_30, %get3A_1 : f32
    %convert_element_type3A_32 = arith.extui %le3A_31 : i1 to i32
    %add3A_33 = arith.addi %add3A_27, %convert_element_type3A_32 : i32
    %get3A_34 = arith.constant 24 : i32
    %get3A_35 = arith.index_cast %get3A_34 : i32 to index
    %get3A_36 = memref.load %arg6[%get3A_35] : memref<128xf32, #tpu.memory_space<smem>>
    %le3A_37 = arith.cmpf ole, %get3A_36, %get3A_1 : f32
    %convert_element_type3A_38 = arith.extui %le3A_37 : i1 to i32
    %add3A_39 = arith.addi %add3A_33, %convert_element_type3A_38 : i32
    %get3A_40 = arith.constant 28 : i32
    %get3A_41 = arith.index_cast %get3A_40 : i32 to index
    %get3A_42 = memref.load %arg6[%get3A_41] : memref<128xf32, #tpu.memory_space<smem>>
    %le3A_43 = arith.cmpf ole, %get3A_42, %get3A_1 : f32
    %convert_element_type3A_44 = arith.extui %le3A_43 : i1 to i32
    %add3A_45 = arith.addi %add3A_39, %convert_element_type3A_44 : i32
    %get3A_46 = arith.constant 32 : i32
    %get3A_47 = arith.index_cast %get3A_46 : i32 to index
    %get3A_48 = memref.load %arg6[%get3A_47] : memref<128xf32, #tpu.memory_space<smem>>
    %le3A_49 = arith.cmpf ole, %get3A_48, %get3A_1 : f32
    %convert_element_type3A_50 = arith.extui %le3A_49 : i1 to i32
    %add3A_51 = arith.addi %add3A_45, %convert_element_type3A_50 : i32
    %get3A_52 = arith.constant 36 : i32
    %get3A_53 = arith.index_cast %get3A_52 : i32 to index
    %get3A_54 = memref.load %arg6[%get3A_53] : memref<128xf32, #tpu.memory_space<smem>>
    %le3A_55 = arith.cmpf ole, %get3A_54, %get3A_1 : f32
    %convert_element_type3A_56 = arith.extui %le3A_55 : i1 to i32
    %add3A_57 = arith.addi %add3A_51, %convert_element_type3A_56 : i32
    %get3A_58 = arith.constant 40 : i32
    %get3A_59 = arith.index_cast %get3A_58 : i32 to index
    %get3A_60 = memref.load %arg6[%get3A_59] : memref<128xf32, #tpu.memory_space<smem>>
    %le3A_61 = arith.cmpf ole, %get3A_60, %get3A_1 : f32
    %convert_element_type3A_62 = arith.extui %le3A_61 : i1 to i32
    %add3A_63 = arith.addi %add3A_57, %convert_element_type3A_62 : i32
    %get3A_64 = arith.constant 44 : i32
    %get3A_65 = arith.index_cast %get3A_64 : i32 to index
    %get3A_66 = memref.load %arg6[%get3A_65] : memref<128xf32, #tpu.memory_space<smem>>
    %le3A_67 = arith.cmpf ole, %get3A_66, %get3A_1 : f32
    %convert_element_type3A_68 = arith.extui %le3A_67 : i1 to i32
    %add3A_69 = arith.addi %add3A_63, %convert_element_type3A_68 : i32
    %get3A_70 = arith.constant 48 : i32
    %get3A_71 = arith.index_cast %get3A_70 : i32 to index
    %get3A_72 = memref.load %arg6[%get3A_71] : memref<128xf32, #tpu.memory_space<smem>>
    %le3A_73 = arith.cmpf ole, %get3A_72, %get3A_1 : f32
    %convert_element_type3A_74 = arith.extui %le3A_73 : i1 to i32
    %add3A_75 = arith.addi %add3A_69, %convert_element_type3A_74 : i32
    %get3A_76 = arith.constant 52 : i32
    %get3A_77 = arith.index_cast %get3A_76 : i32 to index
    %get3A_78 = memref.load %arg6[%get3A_77] : memref<128xf32, #tpu.memory_space<smem>>
    %le3A_79 = arith.cmpf ole, %get3A_78, %get3A_1 : f32
    %convert_element_type3A_80 = arith.extui %le3A_79 : i1 to i32
    %add3A_81 = arith.addi %add3A_75, %convert_element_type3A_80 : i32
    %get3A_82 = arith.constant 56 : i32
    %get3A_83 = arith.index_cast %get3A_82 : i32 to index
    %get3A_84 = memref.load %arg6[%get3A_83] : memref<128xf32, #tpu.memory_space<smem>>
    %le3A_85 = arith.cmpf ole, %get3A_84, %get3A_1 : f32
    %convert_element_type3A_86 = arith.extui %le3A_85 : i1 to i32
    %add3A_87 = arith.addi %add3A_81, %convert_element_type3A_86 : i32
    %get3A_88 = arith.constant 60 : i32
    %get3A_89 = arith.index_cast %get3A_88 : i32 to index
    %get3A_90 = memref.load %arg6[%get3A_89] : memref<128xf32, #tpu.memory_space<smem>>
    %le3A_91 = arith.cmpf ole, %get3A_90, %get3A_1 : f32
    %convert_element_type3A_92 = arith.extui %le3A_91 : i1 to i32
    %add3A_93 = arith.addi %add3A_87, %convert_element_type3A_92 : i32
    %get3A_94 = arith.constant 64 : i32
    %get3A_95 = arith.index_cast %get3A_94 : i32 to index
    %get3A_96 = memref.load %arg6[%get3A_95] : memref<128xf32, #tpu.memory_space<smem>>
    %le3A_97 = arith.cmpf ole, %get3A_96, %get3A_1 : f32
    %convert_element_type3A_98 = arith.extui %le3A_97 : i1 to i32
    %add3A_99 = arith.addi %add3A_93, %convert_element_type3A_98 : i32
    %get3A_100 = arith.constant 68 : i32
    %get3A_101 = arith.index_cast %get3A_100 : i32 to index
    %get3A_102 = memref.load %arg6[%get3A_101] : memref<128xf32, #tpu.memory_space<smem>>
    %le3A_103 = arith.cmpf ole, %get3A_102, %get3A_1 : f32
    %convert_element_type3A_104 = arith.extui %le3A_103 : i1 to i32
    %add3A_105 = arith.addi %add3A_99, %convert_element_type3A_104 : i32
    %get3A_106 = arith.constant 72 : i32
    %get3A_107 = arith.index_cast %get3A_106 : i32 to index
    %get3A_108 = memref.load %arg6[%get3A_107] : memref<128xf32, #tpu.memory_space<smem>>
    %le3A_109 = arith.cmpf ole, %get3A_108, %get3A_1 : f32
    %convert_element_type3A_110 = arith.extui %le3A_109 : i1 to i32
    %add3A_111 = arith.addi %add3A_105, %convert_element_type3A_110 : i32
    %get3A_112 = arith.constant 76 : i32
    %get3A_113 = arith.index_cast %get3A_112 : i32 to index
    %get3A_114 = memref.load %arg6[%get3A_113] : memref<128xf32, #tpu.memory_space<smem>>
    %le3A_115 = arith.cmpf ole, %get3A_114, %get3A_1 : f32
    %convert_element_type3A_116 = arith.extui %le3A_115 : i1 to i32
    %add3A_117 = arith.addi %add3A_111, %convert_element_type3A_116 : i32
    %get3A_118 = arith.constant 80 : i32
    %get3A_119 = arith.index_cast %get3A_118 : i32 to index
    %get3A_120 = memref.load %arg6[%get3A_119] : memref<128xf32, #tpu.memory_space<smem>>
    %le3A_121 = arith.cmpf ole, %get3A_120, %get3A_1 : f32
    %convert_element_type3A_122 = arith.extui %le3A_121 : i1 to i32
    %add3A_123 = arith.addi %add3A_117, %convert_element_type3A_122 : i32
    %get3A_124 = arith.constant 84 : i32
    %get3A_125 = arith.index_cast %get3A_124 : i32 to index
    %get3A_126 = memref.load %arg6[%get3A_125] : memref<128xf32, #tpu.memory_space<smem>>
    %le3A_127 = arith.cmpf ole, %get3A_126, %get3A_1 : f32
    %convert_element_type3A_128 = arith.extui %le3A_127 : i1 to i32
    %add3A_129 = arith.addi %add3A_123, %convert_element_type3A_128 : i32
    %get3A_130 = arith.constant 88 : i32
    %get3A_131 = arith.index_cast %get3A_130 : i32 to index
    %get3A_132 = memref.load %arg6[%get3A_131] : memref<128xf32, #tpu.memory_space<smem>>
    %le3A_133 = arith.cmpf ole, %get3A_132, %get3A_1 : f32
    %convert_element_type3A_134 = arith.extui %le3A_133 : i1 to i32
    %add3A_135 = arith.addi %add3A_129, %convert_element_type3A_134 : i32
    %get3A_136 = arith.constant 92 : i32
    %get3A_137 = arith.index_cast %get3A_136 : i32 to index
    %get3A_138 = memref.load %arg6[%get3A_137] : memref<128xf32, #tpu.memory_space<smem>>
    %le3A_139 = arith.cmpf ole, %get3A_138, %get3A_1 : f32
    %convert_element_type3A_140 = arith.extui %le3A_139 : i1 to i32
    %add3A_141 = arith.addi %add3A_135, %convert_element_type3A_140 : i32
    %get3A_142 = arith.constant 96 : i32
    %get3A_143 = arith.index_cast %get3A_142 : i32 to index
    %get3A_144 = memref.load %arg6[%get3A_143] : memref<128xf32, #tpu.memory_space<smem>>
    %le3A_145 = arith.cmpf ole, %get3A_144, %get3A_1 : f32
    %convert_element_type3A_146 = arith.extui %le3A_145 : i1 to i32
    %add3A_147 = arith.addi %add3A_141, %convert_element_type3A_146 : i32
    %get3A_148 = arith.constant 100 : i32
    %get3A_149 = arith.index_cast %get3A_148 : i32 to index
    %get3A_150 = memref.load %arg6[%get3A_149] : memref<128xf32, #tpu.memory_space<smem>>
    %le3A_151 = arith.cmpf ole, %get3A_150, %get3A_1 : f32
    %convert_element_type3A_152 = arith.extui %le3A_151 : i1 to i32
    %add3A_153 = arith.addi %add3A_147, %convert_element_type3A_152 : i32
    %get3A_154 = arith.constant 104 : i32
    %get3A_155 = arith.index_cast %get3A_154 : i32 to index
    %get3A_156 = memref.load %arg6[%get3A_155] : memref<128xf32, #tpu.memory_space<smem>>
    %le3A_157 = arith.cmpf ole, %get3A_156, %get3A_1 : f32
    %convert_element_type3A_158 = arith.extui %le3A_157 : i1 to i32
    %add3A_159 = arith.addi %add3A_153, %convert_element_type3A_158 : i32
    %get3A_160 = arith.constant 108 : i32
    %get3A_161 = arith.index_cast %get3A_160 : i32 to index
    %get3A_162 = memref.load %arg6[%get3A_161] : memref<128xf32, #tpu.memory_space<smem>>
    %le3A_163 = arith.cmpf ole, %get3A_162, %get3A_1 : f32
    %convert_element_type3A_164 = arith.extui %le3A_163 : i1 to i32
    %add3A_165 = arith.addi %add3A_159, %convert_element_type3A_164 : i32
    %get3A_166 = arith.constant 112 : i32
    %get3A_167 = arith.index_cast %get3A_166 : i32 to index
    %get3A_168 = memref.load %arg6[%get3A_167] : memref<128xf32, #tpu.memory_space<smem>>
    %le3A_169 = arith.cmpf ole, %get3A_168, %get3A_1 : f32
    %convert_element_type3A_170 = arith.extui %le3A_169 : i1 to i32
    %add3A_171 = arith.addi %add3A_165, %convert_element_type3A_170 : i32
    %get3A_172 = arith.constant 116 : i32
    %get3A_173 = arith.index_cast %get3A_172 : i32 to index
    %get3A_174 = memref.load %arg6[%get3A_173] : memref<128xf32, #tpu.memory_space<smem>>
    %le3A_175 = arith.cmpf ole, %get3A_174, %get3A_1 : f32
    %convert_element_type3A_176 = arith.extui %le3A_175 : i1 to i32
    %add3A_177 = arith.addi %add3A_171, %convert_element_type3A_176 : i32
    %get3A_178 = arith.constant 120 : i32
    %get3A_179 = arith.index_cast %get3A_178 : i32 to index
    %get3A_180 = memref.load %arg6[%get3A_179] : memref<128xf32, #tpu.memory_space<smem>>
    %le3A_181 = arith.cmpf ole, %get3A_180, %get3A_1 : f32
    %convert_element_type3A_182 = arith.extui %le3A_181 : i1 to i32
    %add3A_183 = arith.addi %add3A_177, %convert_element_type3A_182 : i32
    %get3A_184 = arith.constant 124 : i32
    %get3A_185 = arith.index_cast %get3A_184 : i32 to index
    %get3A_186 = memref.load %arg6[%get3A_185] : memref<128xf32, #tpu.memory_space<smem>>
    %le3A_187 = arith.cmpf ole, %get3A_186, %get3A_1 : f32
    %convert_element_type3A_188 = arith.extui %le3A_187 : i1 to i32
    %add3A_189 = arith.addi %add3A_183, %convert_element_type3A_188 : i32
    %get3A_190 = arith.constant 1 : i32
    %get3A_191 = arith.index_cast %get3A_190 : i32 to index
    %get3A_192 = memref.load %arg5[%get3A_191] : memref<4xf32, #tpu.memory_space<smem>>
    %get3A_193 = arith.constant 1 : i32
    %get3A_194 = arith.index_cast %get3A_193 : i32 to index
    %get3A_195 = memref.load %arg6[%get3A_194] : memref<128xf32, #tpu.memory_space<smem>>
    %le3A_196 = arith.cmpf ole, %get3A_195, %get3A_192 : f32
    %convert_element_type3A_197 = arith.extui %le3A_196 : i1 to i32
    %get3A_198 = arith.constant 5 : i32
    %get3A_199 = arith.index_cast %get3A_198 : i32 to index
    %get3A_200 = memref.load %arg6[%get3A_199] : memref<128xf32, #tpu.memory_space<smem>>
    %le3A_201 = arith.cmpf ole, %get3A_200, %get3A_192 : f32
    %convert_element_type3A_202 = arith.extui %le3A_201 : i1 to i32
    %add3A_203 = arith.addi %convert_element_type3A_197, %convert_element_type3A_202 : i32
    %get3A_204 = arith.constant 9 : i32
    %get3A_205 = arith.index_cast %get3A_204 : i32 to index
    %get3A_206 = memref.load %arg6[%get3A_205] : memref<128xf32, #tpu.memory_space<smem>>
    %le3A_207 = arith.cmpf ole, %get3A_206, %get3A_192 : f32
    %convert_element_type3A_208 = arith.extui %le3A_207 : i1 to i32
    %add3A_209 = arith.addi %add3A_203, %convert_element_type3A_208 : i32
    %get3A_210 = arith.constant 13 : i32
    %get3A_211 = arith.index_cast %get3A_210 : i32 to index
    %get3A_212 = memref.load %arg6[%get3A_211] : memref<128xf32, #tpu.memory_space<smem>>
    %le3A_213 = arith.cmpf ole, %get3A_212, %get3A_192 : f32
    %convert_element_type3A_214 = arith.extui %le3A_213 : i1 to i32
    %add3A_215 = arith.addi %add3A_209, %convert_element_type3A_214 : i32
    %get3A_216 = arith.constant 17 : i32
    %get3A_217 = arith.index_cast %get3A_216 : i32 to index
    %get3A_218 = memref.load %arg6[%get3A_217] : memref<128xf32, #tpu.memory_space<smem>>
    %le3A_219 = arith.cmpf ole, %get3A_218, %get3A_192 : f32
    %convert_element_type3A_220 = arith.extui %le3A_219 : i1 to i32
    %add3A_221 = arith.addi %add3A_215, %convert_element_type3A_220 : i32
    %get3A_222 = arith.constant 21 : i32
    %get3A_223 = arith.index_cast %get3A_222 : i32 to index
    %get3A_224 = memref.load %arg6[%get3A_223] : memref<128xf32, #tpu.memory_space<smem>>
    %le3A_225 = arith.cmpf ole, %get3A_224, %get3A_192 : f32
    %convert_element_type3A_226 = arith.extui %le3A_225 : i1 to i32
    %add3A_227 = arith.addi %add3A_221, %convert_element_type3A_226 : i32
    %get3A_228 = arith.constant 25 : i32
    %get3A_229 = arith.index_cast %get3A_228 : i32 to index
    %get3A_230 = memref.load %arg6[%get3A_229] : memref<128xf32, #tpu.memory_space<smem>>
    %le3A_231 = arith.cmpf ole, %get3A_230, %get3A_192 : f32
    %convert_element_type3A_232 = arith.extui %le3A_231 : i1 to i32
    %add3A_233 = arith.addi %add3A_227, %convert_element_type3A_232 : i32
    %get3A_234 = arith.constant 29 : i32
    %get3A_235 = arith.index_cast %get3A_234 : i32 to index
    %get3A_236 = memref.load %arg6[%get3A_235] : memref<128xf32, #tpu.memory_space<smem>>
    %le3A_237 = arith.cmpf ole, %get3A_236, %get3A_192 : f32
    %convert_element_type3A_238 = arith.extui %le3A_237 : i1 to i32
    %add3A_239 = arith.addi %add3A_233, %convert_element_type3A_238 : i32
    %get3A_240 = arith.constant 33 : i32
    %get3A_241 = arith.index_cast %get3A_240 : i32 to index
    %get3A_242 = memref.load %arg6[%get3A_241] : memref<128xf32, #tpu.memory_space<smem>>
    %le3A_243 = arith.cmpf ole, %get3A_242, %get3A_192 : f32
    %convert_element_type3A_244 = arith.extui %le3A_243 : i1 to i32
    %add3A_245 = arith.addi %add3A_239, %convert_element_type3A_244 : i32
    %get3A_246 = arith.constant 37 : i32
    %get3A_247 = arith.index_cast %get3A_246 : i32 to index
    %get3A_248 = memref.load %arg6[%get3A_247] : memref<128xf32, #tpu.memory_space<smem>>
    %le3A_249 = arith.cmpf ole, %get3A_248, %get3A_192 : f32
    %convert_element_type3A_250 = arith.extui %le3A_249 : i1 to i32
    %add3A_251 = arith.addi %add3A_245, %convert_element_type3A_250 : i32
    %get3A_252 = arith.constant 41 : i32
    %get3A_253 = arith.index_cast %get3A_252 : i32 to index
    %get3A_254 = memref.load %arg6[%get3A_253] : memref<128xf32, #tpu.memory_space<smem>>
    %le3A_255 = arith.cmpf ole, %get3A_254, %get3A_192 : f32
    %convert_element_type3A_256 = arith.extui %le3A_255 : i1 to i32
    %add3A_257 = arith.addi %add3A_251, %convert_element_type3A_256 : i32
    %get3A_258 = arith.constant 45 : i32
    %get3A_259 = arith.index_cast %get3A_258 : i32 to index
    %get3A_260 = memref.load %arg6[%get3A_259] : memref<128xf32, #tpu.memory_space<smem>>
    %le3A_261 = arith.cmpf ole, %get3A_260, %get3A_192 : f32
    %convert_element_type3A_262 = arith.extui %le3A_261 : i1 to i32
    %add3A_263 = arith.addi %add3A_257, %convert_element_type3A_262 : i32
    %get3A_264 = arith.constant 49 : i32
    %get3A_265 = arith.index_cast %get3A_264 : i32 to index
    %get3A_266 = memref.load %arg6[%get3A_265] : memref<128xf32, #tpu.memory_space<smem>>
    %le3A_267 = arith.cmpf ole, %get3A_266, %get3A_192 : f32
    %convert_element_type3A_268 = arith.extui %le3A_267 : i1 to i32
    %add3A_269 = arith.addi %add3A_263, %convert_element_type3A_268 : i32
    %get3A_270 = arith.constant 53 : i32
    %get3A_271 = arith.index_cast %get3A_270 : i32 to index
    %get3A_272 = memref.load %arg6[%get3A_271] : memref<128xf32, #tpu.memory_space<smem>>
    %le3A_273 = arith.cmpf ole, %get3A_272, %get3A_192 : f32
    %convert_element_type3A_274 = arith.extui %le3A_273 : i1 to i32
    %add3A_275 = arith.addi %add3A_269, %convert_element_type3A_274 : i32
    %get3A_276 = arith.constant 57 : i32
    %get3A_277 = arith.index_cast %get3A_276 : i32 to index
    %get3A_278 = memref.load %arg6[%get3A_277] : memref<128xf32, #tpu.memory_space<smem>>
    %le3A_279 = arith.cmpf ole, %get3A_278, %get3A_192 : f32
    %convert_element_type3A_280 = arith.extui %le3A_279 : i1 to i32
    %add3A_281 = arith.addi %add3A_275, %convert_element_type3A_280 : i32
    %get3A_282 = arith.constant 61 : i32
    %get3A_283 = arith.index_cast %get3A_282 : i32 to index
    %get3A_284 = memref.load %arg6[%get3A_283] : memref<128xf32, #tpu.memory_space<smem>>
    %le3A_285 = arith.cmpf ole, %get3A_284, %get3A_192 : f32
    %convert_element_type3A_286 = arith.extui %le3A_285 : i1 to i32
    %add3A_287 = arith.addi %add3A_281, %convert_element_type3A_286 : i32
    %get3A_288 = arith.constant 65 : i32
    %get3A_289 = arith.index_cast %get3A_288 : i32 to index
    %get3A_290 = memref.load %arg6[%get3A_289] : memref<128xf32, #tpu.memory_space<smem>>
    %le3A_291 = arith.cmpf ole, %get3A_290, %get3A_192 : f32
    %convert_element_type3A_292 = arith.extui %le3A_291 : i1 to i32
    %add3A_293 = arith.addi %add3A_287, %convert_element_type3A_292 : i32
    %get3A_294 = arith.constant 69 : i32
    %get3A_295 = arith.index_cast %get3A_294 : i32 to index
    %get3A_296 = memref.load %arg6[%get3A_295] : memref<128xf32, #tpu.memory_space<smem>>
    %le3A_297 = arith.cmpf ole, %get3A_296, %get3A_192 : f32
    %convert_element_type3A_298 = arith.extui %le3A_297 : i1 to i32
    %add3A_299 = arith.addi %add3A_293, %convert_element_type3A_298 : i32
    %get3A_300 = arith.constant 73 : i32
    %get3A_301 = arith.index_cast %get3A_300 : i32 to index
    %get3A_302 = memref.load %arg6[%get3A_301] : memref<128xf32, #tpu.memory_space<smem>>
    %le3A_303 = arith.cmpf ole, %get3A_302, %get3A_192 : f32
    %convert_element_type3A_304 = arith.extui %le3A_303 : i1 to i32
    %add3A_305 = arith.addi %add3A_299, %convert_element_type3A_304 : i32
    %get3A_306 = arith.constant 77 : i32
    %get3A_307 = arith.index_cast %get3A_306 : i32 to index
    %get3A_308 = memref.load %arg6[%get3A_307] : memref<128xf32, #tpu.memory_space<smem>>
    %le3A_309 = arith.cmpf ole, %get3A_308, %get3A_192 : f32
    %convert_element_type3A_310 = arith.extui %le3A_309 : i1 to i32
    %add3A_311 = arith.addi %add3A_305, %convert_element_type3A_310 : i32
    %get3A_312 = arith.constant 81 : i32
    %get3A_313 = arith.index_cast %get3A_312 : i32 to index
    %get3A_314 = memref.load %arg6[%get3A_313] : memref<128xf32, #tpu.memory_space<smem>>
    %le3A_315 = arith.cmpf ole, %get3A_314, %get3A_192 : f32
    %convert_element_type3A_316 = arith.extui %le3A_315 : i1 to i32
    %add3A_317 = arith.addi %add3A_311, %convert_element_type3A_316 : i32
    %get3A_318 = arith.constant 85 : i32
    %get3A_319 = arith.index_cast %get3A_318 : i32 to index
    %get3A_320 = memref.load %arg6[%get3A_319] : memref<128xf32, #tpu.memory_space<smem>>
    %le3A_321 = arith.cmpf ole, %get3A_320, %get3A_192 : f32
    %convert_element_type3A_322 = arith.extui %le3A_321 : i1 to i32
    %add3A_323 = arith.addi %add3A_317, %convert_element_type3A_322 : i32
    %get3A_324 = arith.constant 89 : i32
    %get3A_325 = arith.index_cast %get3A_324 : i32 to index
    %get3A_326 = memref.load %arg6[%get3A_325] : memref<128xf32, #tpu.memory_space<smem>>
    %le3A_327 = arith.cmpf ole, %get3A_326, %get3A_192 : f32
    %convert_element_type3A_328 = arith.extui %le3A_327 : i1 to i32
    %add3A_329 = arith.addi %add3A_323, %convert_element_type3A_328 : i32
    %get3A_330 = arith.constant 93 : i32
    %get3A_331 = arith.index_cast %get3A_330 : i32 to index
    %get3A_332 = memref.load %arg6[%get3A_331] : memref<128xf32, #tpu.memory_space<smem>>
    %le3A_333 = arith.cmpf ole, %get3A_332, %get3A_192 : f32
    %convert_element_type3A_334 = arith.extui %le3A_333 : i1 to i32
    %add3A_335 = arith.addi %add3A_329, %convert_element_type3A_334 : i32
    %get3A_336 = arith.constant 97 : i32
    %get3A_337 = arith.index_cast %get3A_336 : i32 to index
    %get3A_338 = memref.load %arg6[%get3A_337] : memref<128xf32, #tpu.memory_space<smem>>
    %le3A_339 = arith.cmpf ole, %get3A_338, %get3A_192 : f32
    %convert_element_type3A_340 = arith.extui %le3A_339 : i1 to i32
    %add3A_341 = arith.addi %add3A_335, %convert_element_type3A_340 : i32
    %get3A_342 = arith.constant 101 : i32
    %get3A_343 = arith.index_cast %get3A_342 : i32 to index
    %get3A_344 = memref.load %arg6[%get3A_343] : memref<128xf32, #tpu.memory_space<smem>>
    %le3A_345 = arith.cmpf ole, %get3A_344, %get3A_192 : f32
    %convert_element_type3A_346 = arith.extui %le3A_345 : i1 to i32
    %add3A_347 = arith.addi %add3A_341, %convert_element_type3A_346 : i32
    %get3A_348 = arith.constant 105 : i32
    %get3A_349 = arith.index_cast %get3A_348 : i32 to index
    %get3A_350 = memref.load %arg6[%get3A_349] : memref<128xf32, #tpu.memory_space<smem>>
    %le3A_351 = arith.cmpf ole, %get3A_350, %get3A_192 : f32
    %convert_element_type3A_352 = arith.extui %le3A_351 : i1 to i32
    %add3A_353 = arith.addi %add3A_347, %convert_element_type3A_352 : i32
    %get3A_354 = arith.constant 109 : i32
    %get3A_355 = arith.index_cast %get3A_354 : i32 to index
    %get3A_356 = memref.load %arg6[%get3A_355] : memref<128xf32, #tpu.memory_space<smem>>
    %le3A_357 = arith.cmpf ole, %get3A_356, %get3A_192 : f32
    %convert_element_type3A_358 = arith.extui %le3A_357 : i1 to i32
    %add3A_359 = arith.addi %add3A_353, %convert_element_type3A_358 : i32
    %get3A_360 = arith.constant 113 : i32
    %get3A_361 = arith.index_cast %get3A_360 : i32 to index
    %get3A_362 = memref.load %arg6[%get3A_361] : memref<128xf32, #tpu.memory_space<smem>>
    %le3A_363 = arith.cmpf ole, %get3A_362, %get3A_192 : f32
    %convert_element_type3A_364 = arith.extui %le3A_363 : i1 to i32
    %add3A_365 = arith.addi %add3A_359, %convert_element_type3A_364 : i32
    %get3A_366 = arith.constant 117 : i32
    %get3A_367 = arith.index_cast %get3A_366 : i32 to index
    %get3A_368 = memref.load %arg6[%get3A_367] : memref<128xf32, #tpu.memory_space<smem>>
    %le3A_369 = arith.cmpf ole, %get3A_368, %get3A_192 : f32
    %convert_element_type3A_370 = arith.extui %le3A_369 : i1 to i32
    %add3A_371 = arith.addi %add3A_365, %convert_element_type3A_370 : i32
    %get3A_372 = arith.constant 121 : i32
    %get3A_373 = arith.index_cast %get3A_372 : i32 to index
    %get3A_374 = memref.load %arg6[%get3A_373] : memref<128xf32, #tpu.memory_space<smem>>
    %le3A_375 = arith.cmpf ole, %get3A_374, %get3A_192 : f32
    %convert_element_type3A_376 = arith.extui %le3A_375 : i1 to i32
    %add3A_377 = arith.addi %add3A_371, %convert_element_type3A_376 : i32
    %get3A_378 = arith.constant 125 : i32
    %get3A_379 = arith.index_cast %get3A_378 : i32 to index
    %get3A_380 = memref.load %arg6[%get3A_379] : memref<128xf32, #tpu.memory_space<smem>>
    %le3A_381 = arith.cmpf ole, %get3A_380, %get3A_192 : f32
    %convert_element_type3A_382 = arith.extui %le3A_381 : i1 to i32
    %add3A_383 = arith.addi %add3A_377, %convert_element_type3A_382 : i32
    %mul3A = arith.constant 32 : i32
    %mul3A_384 = arith.muli %add3A_189, %mul3A : i32
    %add3A_385 = arith.addi %mul3A_384, %add3A_383 : i32
    %get3A_386 = arith.constant 2 : i32
    %get3A_387 = arith.index_cast %get3A_386 : i32 to index
    %get3A_388 = memref.load %arg5[%get3A_387] : memref<4xf32, #tpu.memory_space<smem>>
    %get3A_389 = arith.constant 2 : i32
    %get3A_390 = arith.index_cast %get3A_389 : i32 to index
    %get3A_391 = memref.load %arg6[%get3A_390] : memref<128xf32, #tpu.memory_space<smem>>
    %le3A_392 = arith.cmpf ole, %get3A_391, %get3A_388 : f32
    %convert_element_type3A_393 = arith.extui %le3A_392 : i1 to i32
    %get3A_394 = arith.constant 6 : i32
    %get3A_395 = arith.index_cast %get3A_394 : i32 to index
    %get3A_396 = memref.load %arg6[%get3A_395] : memref<128xf32, #tpu.memory_space<smem>>
    %le3A_397 = arith.cmpf ole, %get3A_396, %get3A_388 : f32
    %convert_element_type3A_398 = arith.extui %le3A_397 : i1 to i32
    %add3A_399 = arith.addi %convert_element_type3A_393, %convert_element_type3A_398 : i32
    %get3A_400 = arith.constant 10 : i32
    %get3A_401 = arith.index_cast %get3A_400 : i32 to index
    %get3A_402 = memref.load %arg6[%get3A_401] : memref<128xf32, #tpu.memory_space<smem>>
    %le3A_403 = arith.cmpf ole, %get3A_402, %get3A_388 : f32
    %convert_element_type3A_404 = arith.extui %le3A_403 : i1 to i32
    %add3A_405 = arith.addi %add3A_399, %convert_element_type3A_404 : i32
    %get3A_406 = arith.constant 14 : i32
    %get3A_407 = arith.index_cast %get3A_406 : i32 to index
    %get3A_408 = memref.load %arg6[%get3A_407] : memref<128xf32, #tpu.memory_space<smem>>
    %le3A_409 = arith.cmpf ole, %get3A_408, %get3A_388 : f32
    %convert_element_type3A_410 = arith.extui %le3A_409 : i1 to i32
    %add3A_411 = arith.addi %add3A_405, %convert_element_type3A_410 : i32
    %get3A_412 = arith.constant 18 : i32
    %get3A_413 = arith.index_cast %get3A_412 : i32 to index
    %get3A_414 = memref.load %arg6[%get3A_413] : memref<128xf32, #tpu.memory_space<smem>>
    %le3A_415 = arith.cmpf ole, %get3A_414, %get3A_388 : f32
    %convert_element_type3A_416 = arith.extui %le3A_415 : i1 to i32
    %add3A_417 = arith.addi %add3A_411, %convert_element_type3A_416 : i32
    %get3A_418 = arith.constant 22 : i32
    %get3A_419 = arith.index_cast %get3A_418 : i32 to index
    %get3A_420 = memref.load %arg6[%get3A_419] : memref<128xf32, #tpu.memory_space<smem>>
    %le3A_421 = arith.cmpf ole, %get3A_420, %get3A_388 : f32
    %convert_element_type3A_422 = arith.extui %le3A_421 : i1 to i32
    %add3A_423 = arith.addi %add3A_417, %convert_element_type3A_422 : i32
    %get3A_424 = arith.constant 26 : i32
    %get3A_425 = arith.index_cast %get3A_424 : i32 to index
    %get3A_426 = memref.load %arg6[%get3A_425] : memref<128xf32, #tpu.memory_space<smem>>
    %le3A_427 = arith.cmpf ole, %get3A_426, %get3A_388 : f32
    %convert_element_type3A_428 = arith.extui %le3A_427 : i1 to i32
    %add3A_429 = arith.addi %add3A_423, %convert_element_type3A_428 : i32
    %get3A_430 = arith.constant 30 : i32
    %get3A_431 = arith.index_cast %get3A_430 : i32 to index
    %get3A_432 = memref.load %arg6[%get3A_431] : memref<128xf32, #tpu.memory_space<smem>>
    %le3A_433 = arith.cmpf ole, %get3A_432, %get3A_388 : f32
    %convert_element_type3A_434 = arith.extui %le3A_433 : i1 to i32
    %add3A_435 = arith.addi %add3A_429, %convert_element_type3A_434 : i32
    %get3A_436 = arith.constant 34 : i32
    %get3A_437 = arith.index_cast %get3A_436 : i32 to index
    %get3A_438 = memref.load %arg6[%get3A_437] : memref<128xf32, #tpu.memory_space<smem>>
    %le3A_439 = arith.cmpf ole, %get3A_438, %get3A_388 : f32
    %convert_element_type3A_440 = arith.extui %le3A_439 : i1 to i32
    %add3A_441 = arith.addi %add3A_435, %convert_element_type3A_440 : i32
    %get3A_442 = arith.constant 38 : i32
    %get3A_443 = arith.index_cast %get3A_442 : i32 to index
    %get3A_444 = memref.load %arg6[%get3A_443] : memref<128xf32, #tpu.memory_space<smem>>
    %le3A_445 = arith.cmpf ole, %get3A_444, %get3A_388 : f32
    %convert_element_type3A_446 = arith.extui %le3A_445 : i1 to i32
    %add3A_447 = arith.addi %add3A_441, %convert_element_type3A_446 : i32
    %get3A_448 = arith.constant 42 : i32
    %get3A_449 = arith.index_cast %get3A_448 : i32 to index
    %get3A_450 = memref.load %arg6[%get3A_449] : memref<128xf32, #tpu.memory_space<smem>>
    %le3A_451 = arith.cmpf ole, %get3A_450, %get3A_388 : f32
    %convert_element_type3A_452 = arith.extui %le3A_451 : i1 to i32
    %add3A_453 = arith.addi %add3A_447, %convert_element_type3A_452 : i32
    %get3A_454 = arith.constant 46 : i32
    %get3A_455 = arith.index_cast %get3A_454 : i32 to index
    %get3A_456 = memref.load %arg6[%get3A_455] : memref<128xf32, #tpu.memory_space<smem>>
    %le3A_457 = arith.cmpf ole, %get3A_456, %get3A_388 : f32
    %convert_element_type3A_458 = arith.extui %le3A_457 : i1 to i32
    %add3A_459 = arith.addi %add3A_453, %convert_element_type3A_458 : i32
    %get3A_460 = arith.constant 50 : i32
    %get3A_461 = arith.index_cast %get3A_460 : i32 to index
    %get3A_462 = memref.load %arg6[%get3A_461] : memref<128xf32, #tpu.memory_space<smem>>
    %le3A_463 = arith.cmpf ole, %get3A_462, %get3A_388 : f32
    %convert_element_type3A_464 = arith.extui %le3A_463 : i1 to i32
    %add3A_465 = arith.addi %add3A_459, %convert_element_type3A_464 : i32
    %get3A_466 = arith.constant 54 : i32
    %get3A_467 = arith.index_cast %get3A_466 : i32 to index
    %get3A_468 = memref.load %arg6[%get3A_467] : memref<128xf32, #tpu.memory_space<smem>>
    %le3A_469 = arith.cmpf ole, %get3A_468, %get3A_388 : f32
    %convert_element_type3A_470 = arith.extui %le3A_469 : i1 to i32
    %add3A_471 = arith.addi %add3A_465, %convert_element_type3A_470 : i32
    %get3A_472 = arith.constant 58 : i32
    %get3A_473 = arith.index_cast %get3A_472 : i32 to index
    %get3A_474 = memref.load %arg6[%get3A_473] : memref<128xf32, #tpu.memory_space<smem>>
    %le3A_475 = arith.cmpf ole, %get3A_474, %get3A_388 : f32
    %convert_element_type3A_476 = arith.extui %le3A_475 : i1 to i32
    %add3A_477 = arith.addi %add3A_471, %convert_element_type3A_476 : i32
    %get3A_478 = arith.constant 62 : i32
    %get3A_479 = arith.index_cast %get3A_478 : i32 to index
    %get3A_480 = memref.load %arg6[%get3A_479] : memref<128xf32, #tpu.memory_space<smem>>
    %le3A_481 = arith.cmpf ole, %get3A_480, %get3A_388 : f32
    %convert_element_type3A_482 = arith.extui %le3A_481 : i1 to i32
    %add3A_483 = arith.addi %add3A_477, %convert_element_type3A_482 : i32
    %get3A_484 = arith.constant 66 : i32
    %get3A_485 = arith.index_cast %get3A_484 : i32 to index
    %get3A_486 = memref.load %arg6[%get3A_485] : memref<128xf32, #tpu.memory_space<smem>>
    %le3A_487 = arith.cmpf ole, %get3A_486, %get3A_388 : f32
    %convert_element_type3A_488 = arith.extui %le3A_487 : i1 to i32
    %add3A_489 = arith.addi %add3A_483, %convert_element_type3A_488 : i32
    %get3A_490 = arith.constant 70 : i32
    %get3A_491 = arith.index_cast %get3A_490 : i32 to index
    %get3A_492 = memref.load %arg6[%get3A_491] : memref<128xf32, #tpu.memory_space<smem>>
    %le3A_493 = arith.cmpf ole, %get3A_492, %get3A_388 : f32
    %convert_element_type3A_494 = arith.extui %le3A_493 : i1 to i32
    %add3A_495 = arith.addi %add3A_489, %convert_element_type3A_494 : i32
    %get3A_496 = arith.constant 74 : i32
    %get3A_497 = arith.index_cast %get3A_496 : i32 to index
    %get3A_498 = memref.load %arg6[%get3A_497] : memref<128xf32, #tpu.memory_space<smem>>
    %le3A_499 = arith.cmpf ole, %get3A_498, %get3A_388 : f32
    %convert_element_type3A_500 = arith.extui %le3A_499 : i1 to i32
    %add3A_501 = arith.addi %add3A_495, %convert_element_type3A_500 : i32
    %get3A_502 = arith.constant 78 : i32
    %get3A_503 = arith.index_cast %get3A_502 : i32 to index
    %get3A_504 = memref.load %arg6[%get3A_503] : memref<128xf32, #tpu.memory_space<smem>>
    %le3A_505 = arith.cmpf ole, %get3A_504, %get3A_388 : f32
    %convert_element_type3A_506 = arith.extui %le3A_505 : i1 to i32
    %add3A_507 = arith.addi %add3A_501, %convert_element_type3A_506 : i32
    %get3A_508 = arith.constant 82 : i32
    %get3A_509 = arith.index_cast %get3A_508 : i32 to index
    %get3A_510 = memref.load %arg6[%get3A_509] : memref<128xf32, #tpu.memory_space<smem>>
    %le3A_511 = arith.cmpf ole, %get3A_510, %get3A_388 : f32
    %convert_element_type3A_512 = arith.extui %le3A_511 : i1 to i32
    %add3A_513 = arith.addi %add3A_507, %convert_element_type3A_512 : i32
    %get3A_514 = arith.constant 86 : i32
    %get3A_515 = arith.index_cast %get3A_514 : i32 to index
    %get3A_516 = memref.load %arg6[%get3A_515] : memref<128xf32, #tpu.memory_space<smem>>
    %le3A_517 = arith.cmpf ole, %get3A_516, %get3A_388 : f32
    %convert_element_type3A_518 = arith.extui %le3A_517 : i1 to i32
    %add3A_519 = arith.addi %add3A_513, %convert_element_type3A_518 : i32
    %get3A_520 = arith.constant 90 : i32
    %get3A_521 = arith.index_cast %get3A_520 : i32 to index
    %get3A_522 = memref.load %arg6[%get3A_521] : memref<128xf32, #tpu.memory_space<smem>>
    %le3A_523 = arith.cmpf ole, %get3A_522, %get3A_388 : f32
    %convert_element_type3A_524 = arith.extui %le3A_523 : i1 to i32
    %add3A_525 = arith.addi %add3A_519, %convert_element_type3A_524 : i32
    %get3A_526 = arith.constant 94 : i32
    %get3A_527 = arith.index_cast %get3A_526 : i32 to index
    %get3A_528 = memref.load %arg6[%get3A_527] : memref<128xf32, #tpu.memory_space<smem>>
    %le3A_529 = arith.cmpf ole, %get3A_528, %get3A_388 : f32
    %convert_element_type3A_530 = arith.extui %le3A_529 : i1 to i32
    %add3A_531 = arith.addi %add3A_525, %convert_element_type3A_530 : i32
    %get3A_532 = arith.constant 98 : i32
    %get3A_533 = arith.index_cast %get3A_532 : i32 to index
    %get3A_534 = memref.load %arg6[%get3A_533] : memref<128xf32, #tpu.memory_space<smem>>
    %le3A_535 = arith.cmpf ole, %get3A_534, %get3A_388 : f32
    %convert_element_type3A_536 = arith.extui %le3A_535 : i1 to i32
    %add3A_537 = arith.addi %add3A_531, %convert_element_type3A_536 : i32
    %get3A_538 = arith.constant 102 : i32
    %get3A_539 = arith.index_cast %get3A_538 : i32 to index
    %get3A_540 = memref.load %arg6[%get3A_539] : memref<128xf32, #tpu.memory_space<smem>>
    %le3A_541 = arith.cmpf ole, %get3A_540, %get3A_388 : f32
    %convert_element_type3A_542 = arith.extui %le3A_541 : i1 to i32
    %add3A_543 = arith.addi %add3A_537, %convert_element_type3A_542 : i32
    %get3A_544 = arith.constant 106 : i32
    %get3A_545 = arith.index_cast %get3A_544 : i32 to index
    %get3A_546 = memref.load %arg6[%get3A_545] : memref<128xf32, #tpu.memory_space<smem>>
    %le3A_547 = arith.cmpf ole, %get3A_546, %get3A_388 : f32
    %convert_element_type3A_548 = arith.extui %le3A_547 : i1 to i32
    %add3A_549 = arith.addi %add3A_543, %convert_element_type3A_548 : i32
    %get3A_550 = arith.constant 110 : i32
    %get3A_551 = arith.index_cast %get3A_550 : i32 to index
    %get3A_552 = memref.load %arg6[%get3A_551] : memref<128xf32, #tpu.memory_space<smem>>
    %le3A_553 = arith.cmpf ole, %get3A_552, %get3A_388 : f32
    %convert_element_type3A_554 = arith.extui %le3A_553 : i1 to i32
    %add3A_555 = arith.addi %add3A_549, %convert_element_type3A_554 : i32
    %get3A_556 = arith.constant 114 : i32
    %get3A_557 = arith.index_cast %get3A_556 : i32 to index
    %get3A_558 = memref.load %arg6[%get3A_557] : memref<128xf32, #tpu.memory_space<smem>>
    %le3A_559 = arith.cmpf ole, %get3A_558, %get3A_388 : f32
    %convert_element_type3A_560 = arith.extui %le3A_559 : i1 to i32
    %add3A_561 = arith.addi %add3A_555, %convert_element_type3A_560 : i32
    %get3A_562 = arith.constant 118 : i32
    %get3A_563 = arith.index_cast %get3A_562 : i32 to index
    %get3A_564 = memref.load %arg6[%get3A_563] : memref<128xf32, #tpu.memory_space<smem>>
    %le3A_565 = arith.cmpf ole, %get3A_564, %get3A_388 : f32
    %convert_element_type3A_566 = arith.extui %le3A_565 : i1 to i32
    %add3A_567 = arith.addi %add3A_561, %convert_element_type3A_566 : i32
    %get3A_568 = arith.constant 122 : i32
    %get3A_569 = arith.index_cast %get3A_568 : i32 to index
    %get3A_570 = memref.load %arg6[%get3A_569] : memref<128xf32, #tpu.memory_space<smem>>
    %le3A_571 = arith.cmpf ole, %get3A_570, %get3A_388 : f32
    %convert_element_type3A_572 = arith.extui %le3A_571 : i1 to i32
    %add3A_573 = arith.addi %add3A_567, %convert_element_type3A_572 : i32
    %get3A_574 = arith.constant 126 : i32
    %get3A_575 = arith.index_cast %get3A_574 : i32 to index
    %get3A_576 = memref.load %arg6[%get3A_575] : memref<128xf32, #tpu.memory_space<smem>>
    %le3A_577 = arith.cmpf ole, %get3A_576, %get3A_388 : f32
    %convert_element_type3A_578 = arith.extui %le3A_577 : i1 to i32
    %add3A_579 = arith.addi %add3A_573, %convert_element_type3A_578 : i32
    %mul3A_580 = arith.constant 32 : i32
    %mul3A_581 = arith.muli %add3A_385, %mul3A_580 : i32
    %add3A_582 = arith.addi %mul3A_581, %add3A_579 : i32
    %get3A_583 = arith.constant 3 : i32
    %get3A_584 = arith.index_cast %get3A_583 : i32 to index
    %get3A_585 = memref.load %arg5[%get3A_584] : memref<4xf32, #tpu.memory_space<smem>>
    %get3A_586 = arith.constant 3 : i32
    %get3A_587 = arith.index_cast %get3A_586 : i32 to index
    %get3A_588 = memref.load %arg6[%get3A_587] : memref<128xf32, #tpu.memory_space<smem>>
    %le3A_589 = arith.cmpf ole, %get3A_588, %get3A_585 : f32
    %convert_element_type3A_590 = arith.extui %le3A_589 : i1 to i32
    %get3A_591 = arith.constant 7 : i32
    %get3A_592 = arith.index_cast %get3A_591 : i32 to index
    %get3A_593 = memref.load %arg6[%get3A_592] : memref<128xf32, #tpu.memory_space<smem>>
    %le3A_594 = arith.cmpf ole, %get3A_593, %get3A_585 : f32
    %convert_element_type3A_595 = arith.extui %le3A_594 : i1 to i32
    %add3A_596 = arith.addi %convert_element_type3A_590, %convert_element_type3A_595 : i32
    %get3A_597 = arith.constant 11 : i32
    %get3A_598 = arith.index_cast %get3A_597 : i32 to index
    %get3A_599 = memref.load %arg6[%get3A_598] : memref<128xf32, #tpu.memory_space<smem>>
    %le3A_600 = arith.cmpf ole, %get3A_599, %get3A_585 : f32
    %convert_element_type3A_601 = arith.extui %le3A_600 : i1 to i32
    %add3A_602 = arith.addi %add3A_596, %convert_element_type3A_601 : i32
    %get3A_603 = arith.constant 15 : i32
    %get3A_604 = arith.index_cast %get3A_603 : i32 to index
    %get3A_605 = memref.load %arg6[%get3A_604] : memref<128xf32, #tpu.memory_space<smem>>
    %le3A_606 = arith.cmpf ole, %get3A_605, %get3A_585 : f32
    %convert_element_type3A_607 = arith.extui %le3A_606 : i1 to i32
    %add3A_608 = arith.addi %add3A_602, %convert_element_type3A_607 : i32
    %get3A_609 = arith.constant 19 : i32
    %get3A_610 = arith.index_cast %get3A_609 : i32 to index
    %get3A_611 = memref.load %arg6[%get3A_610] : memref<128xf32, #tpu.memory_space<smem>>
    %le3A_612 = arith.cmpf ole, %get3A_611, %get3A_585 : f32
    %convert_element_type3A_613 = arith.extui %le3A_612 : i1 to i32
    %add3A_614 = arith.addi %add3A_608, %convert_element_type3A_613 : i32
    %get3A_615 = arith.constant 23 : i32
    %get3A_616 = arith.index_cast %get3A_615 : i32 to index
    %get3A_617 = memref.load %arg6[%get3A_616] : memref<128xf32, #tpu.memory_space<smem>>
    %le3A_618 = arith.cmpf ole, %get3A_617, %get3A_585 : f32
    %convert_element_type3A_619 = arith.extui %le3A_618 : i1 to i32
    %add3A_620 = arith.addi %add3A_614, %convert_element_type3A_619 : i32
    %get3A_621 = arith.constant 27 : i32
    %get3A_622 = arith.index_cast %get3A_621 : i32 to index
    %get3A_623 = memref.load %arg6[%get3A_622] : memref<128xf32, #tpu.memory_space<smem>>
    %le3A_624 = arith.cmpf ole, %get3A_623, %get3A_585 : f32
    %convert_element_type3A_625 = arith.extui %le3A_624 : i1 to i32
    %add3A_626 = arith.addi %add3A_620, %convert_element_type3A_625 : i32
    %get3A_627 = arith.constant 31 : i32
    %get3A_628 = arith.index_cast %get3A_627 : i32 to index
    %get3A_629 = memref.load %arg6[%get3A_628] : memref<128xf32, #tpu.memory_space<smem>>
    %le3A_630 = arith.cmpf ole, %get3A_629, %get3A_585 : f32
    %convert_element_type3A_631 = arith.extui %le3A_630 : i1 to i32
    %add3A_632 = arith.addi %add3A_626, %convert_element_type3A_631 : i32
    %get3A_633 = arith.constant 35 : i32
    %get3A_634 = arith.index_cast %get3A_633 : i32 to index
    %get3A_635 = memref.load %arg6[%get3A_634] : memref<128xf32, #tpu.memory_space<smem>>
    %le3A_636 = arith.cmpf ole, %get3A_635, %get3A_585 : f32
    %convert_element_type3A_637 = arith.extui %le3A_636 : i1 to i32
    %add3A_638 = arith.addi %add3A_632, %convert_element_type3A_637 : i32
    %get3A_639 = arith.constant 39 : i32
    %get3A_640 = arith.index_cast %get3A_639 : i32 to index
    %get3A_641 = memref.load %arg6[%get3A_640] : memref<128xf32, #tpu.memory_space<smem>>
    %le3A_642 = arith.cmpf ole, %get3A_641, %get3A_585 : f32
    %convert_element_type3A_643 = arith.extui %le3A_642 : i1 to i32
    %add3A_644 = arith.addi %add3A_638, %convert_element_type3A_643 : i32
    %get3A_645 = arith.constant 43 : i32
    %get3A_646 = arith.index_cast %get3A_645 : i32 to index
    %get3A_647 = memref.load %arg6[%get3A_646] : memref<128xf32, #tpu.memory_space<smem>>
    %le3A_648 = arith.cmpf ole, %get3A_647, %get3A_585 : f32
    %convert_element_type3A_649 = arith.extui %le3A_648 : i1 to i32
    %add3A_650 = arith.addi %add3A_644, %convert_element_type3A_649 : i32
    %get3A_651 = arith.constant 47 : i32
    %get3A_652 = arith.index_cast %get3A_651 : i32 to index
    %get3A_653 = memref.load %arg6[%get3A_652] : memref<128xf32, #tpu.memory_space<smem>>
    %le3A_654 = arith.cmpf ole, %get3A_653, %get3A_585 : f32
    %convert_element_type3A_655 = arith.extui %le3A_654 : i1 to i32
    %add3A_656 = arith.addi %add3A_650, %convert_element_type3A_655 : i32
    %get3A_657 = arith.constant 51 : i32
    %get3A_658 = arith.index_cast %get3A_657 : i32 to index
    %get3A_659 = memref.load %arg6[%get3A_658] : memref<128xf32, #tpu.memory_space<smem>>
    %le3A_660 = arith.cmpf ole, %get3A_659, %get3A_585 : f32
    %convert_element_type3A_661 = arith.extui %le3A_660 : i1 to i32
    %add3A_662 = arith.addi %add3A_656, %convert_element_type3A_661 : i32
    %get3A_663 = arith.constant 55 : i32
    %get3A_664 = arith.index_cast %get3A_663 : i32 to index
    %get3A_665 = memref.load %arg6[%get3A_664] : memref<128xf32, #tpu.memory_space<smem>>
    %le3A_666 = arith.cmpf ole, %get3A_665, %get3A_585 : f32
    %convert_element_type3A_667 = arith.extui %le3A_666 : i1 to i32
    %add3A_668 = arith.addi %add3A_662, %convert_element_type3A_667 : i32
    %get3A_669 = arith.constant 59 : i32
    %get3A_670 = arith.index_cast %get3A_669 : i32 to index
    %get3A_671 = memref.load %arg6[%get3A_670] : memref<128xf32, #tpu.memory_space<smem>>
    %le3A_672 = arith.cmpf ole, %get3A_671, %get3A_585 : f32
    %convert_element_type3A_673 = arith.extui %le3A_672 : i1 to i32
    %add3A_674 = arith.addi %add3A_668, %convert_element_type3A_673 : i32
    %get3A_675 = arith.constant 63 : i32
    %get3A_676 = arith.index_cast %get3A_675 : i32 to index
    %get3A_677 = memref.load %arg6[%get3A_676] : memref<128xf32, #tpu.memory_space<smem>>
    %le3A_678 = arith.cmpf ole, %get3A_677, %get3A_585 : f32
    %convert_element_type3A_679 = arith.extui %le3A_678 : i1 to i32
    %add3A_680 = arith.addi %add3A_674, %convert_element_type3A_679 : i32
    %get3A_681 = arith.constant 67 : i32
    %get3A_682 = arith.index_cast %get3A_681 : i32 to index
    %get3A_683 = memref.load %arg6[%get3A_682] : memref<128xf32, #tpu.memory_space<smem>>
    %le3A_684 = arith.cmpf ole, %get3A_683, %get3A_585 : f32
    %convert_element_type3A_685 = arith.extui %le3A_684 : i1 to i32
    %add3A_686 = arith.addi %add3A_680, %convert_element_type3A_685 : i32
    %get3A_687 = arith.constant 71 : i32
    %get3A_688 = arith.index_cast %get3A_687 : i32 to index
    %get3A_689 = memref.load %arg6[%get3A_688] : memref<128xf32, #tpu.memory_space<smem>>
    %le3A_690 = arith.cmpf ole, %get3A_689, %get3A_585 : f32
    %convert_element_type3A_691 = arith.extui %le3A_690 : i1 to i32
    %add3A_692 = arith.addi %add3A_686, %convert_element_type3A_691 : i32
    %get3A_693 = arith.constant 75 : i32
    %get3A_694 = arith.index_cast %get3A_693 : i32 to index
    %get3A_695 = memref.load %arg6[%get3A_694] : memref<128xf32, #tpu.memory_space<smem>>
    %le3A_696 = arith.cmpf ole, %get3A_695, %get3A_585 : f32
    %convert_element_type3A_697 = arith.extui %le3A_696 : i1 to i32
    %add3A_698 = arith.addi %add3A_692, %convert_element_type3A_697 : i32
    %get3A_699 = arith.constant 79 : i32
    %get3A_700 = arith.index_cast %get3A_699 : i32 to index
    %get3A_701 = memref.load %arg6[%get3A_700] : memref<128xf32, #tpu.memory_space<smem>>
    %le3A_702 = arith.cmpf ole, %get3A_701, %get3A_585 : f32
    %convert_element_type3A_703 = arith.extui %le3A_702 : i1 to i32
    %add3A_704 = arith.addi %add3A_698, %convert_element_type3A_703 : i32
    %get3A_705 = arith.constant 83 : i32
    %get3A_706 = arith.index_cast %get3A_705 : i32 to index
    %get3A_707 = memref.load %arg6[%get3A_706] : memref<128xf32, #tpu.memory_space<smem>>
    %le3A_708 = arith.cmpf ole, %get3A_707, %get3A_585 : f32
    %convert_element_type3A_709 = arith.extui %le3A_708 : i1 to i32
    %add3A_710 = arith.addi %add3A_704, %convert_element_type3A_709 : i32
    %get3A_711 = arith.constant 87 : i32
    %get3A_712 = arith.index_cast %get3A_711 : i32 to index
    %get3A_713 = memref.load %arg6[%get3A_712] : memref<128xf32, #tpu.memory_space<smem>>
    %le3A_714 = arith.cmpf ole, %get3A_713, %get3A_585 : f32
    %convert_element_type3A_715 = arith.extui %le3A_714 : i1 to i32
    %add3A_716 = arith.addi %add3A_710, %convert_element_type3A_715 : i32
    %get3A_717 = arith.constant 91 : i32
    %get3A_718 = arith.index_cast %get3A_717 : i32 to index
    %get3A_719 = memref.load %arg6[%get3A_718] : memref<128xf32, #tpu.memory_space<smem>>
    %le3A_720 = arith.cmpf ole, %get3A_719, %get3A_585 : f32
    %convert_element_type3A_721 = arith.extui %le3A_720 : i1 to i32
    %add3A_722 = arith.addi %add3A_716, %convert_element_type3A_721 : i32
    %get3A_723 = arith.constant 95 : i32
    %get3A_724 = arith.index_cast %get3A_723 : i32 to index
    %get3A_725 = memref.load %arg6[%get3A_724] : memref<128xf32, #tpu.memory_space<smem>>
    %le3A_726 = arith.cmpf ole, %get3A_725, %get3A_585 : f32
    %convert_element_type3A_727 = arith.extui %le3A_726 : i1 to i32
    %add3A_728 = arith.addi %add3A_722, %convert_element_type3A_727 : i32
    %get3A_729 = arith.constant 99 : i32
    %get3A_730 = arith.index_cast %get3A_729 : i32 to index
    %get3A_731 = memref.load %arg6[%get3A_730] : memref<128xf32, #tpu.memory_space<smem>>
    %le3A_732 = arith.cmpf ole, %get3A_731, %get3A_585 : f32
    %convert_element_type3A_733 = arith.extui %le3A_732 : i1 to i32
    %add3A_734 = arith.addi %add3A_728, %convert_element_type3A_733 : i32
    %get3A_735 = arith.constant 103 : i32
    %get3A_736 = arith.index_cast %get3A_735 : i32 to index
    %get3A_737 = memref.load %arg6[%get3A_736] : memref<128xf32, #tpu.memory_space<smem>>
    %le3A_738 = arith.cmpf ole, %get3A_737, %get3A_585 : f32
    %convert_element_type3A_739 = arith.extui %le3A_738 : i1 to i32
    %add3A_740 = arith.addi %add3A_734, %convert_element_type3A_739 : i32
    %get3A_741 = arith.constant 107 : i32
    %get3A_742 = arith.index_cast %get3A_741 : i32 to index
    %get3A_743 = memref.load %arg6[%get3A_742] : memref<128xf32, #tpu.memory_space<smem>>
    %le3A_744 = arith.cmpf ole, %get3A_743, %get3A_585 : f32
    %convert_element_type3A_745 = arith.extui %le3A_744 : i1 to i32
    %add3A_746 = arith.addi %add3A_740, %convert_element_type3A_745 : i32
    %get3A_747 = arith.constant 111 : i32
    %get3A_748 = arith.index_cast %get3A_747 : i32 to index
    %get3A_749 = memref.load %arg6[%get3A_748] : memref<128xf32, #tpu.memory_space<smem>>
    %le3A_750 = arith.cmpf ole, %get3A_749, %get3A_585 : f32
    %convert_element_type3A_751 = arith.extui %le3A_750 : i1 to i32
    %add3A_752 = arith.addi %add3A_746, %convert_element_type3A_751 : i32
    %get3A_753 = arith.constant 115 : i32
    %get3A_754 = arith.index_cast %get3A_753 : i32 to index
    %get3A_755 = memref.load %arg6[%get3A_754] : memref<128xf32, #tpu.memory_space<smem>>
    %le3A_756 = arith.cmpf ole, %get3A_755, %get3A_585 : f32
    %convert_element_type3A_757 = arith.extui %le3A_756 : i1 to i32
    %add3A_758 = arith.addi %add3A_752, %convert_element_type3A_757 : i32
    %get3A_759 = arith.constant 119 : i32
    %get3A_760 = arith.index_cast %get3A_759 : i32 to index
    %get3A_761 = memref.load %arg6[%get3A_760] : memref<128xf32, #tpu.memory_space<smem>>
    %le3A_762 = arith.cmpf ole, %get3A_761, %get3A_585 : f32
    %convert_element_type3A_763 = arith.extui %le3A_762 : i1 to i32
    %add3A_764 = arith.addi %add3A_758, %convert_element_type3A_763 : i32
    %get3A_765 = arith.constant 123 : i32
    %get3A_766 = arith.index_cast %get3A_765 : i32 to index
    %get3A_767 = memref.load %arg6[%get3A_766] : memref<128xf32, #tpu.memory_space<smem>>
    %le3A_768 = arith.cmpf ole, %get3A_767, %get3A_585 : f32
    %convert_element_type3A_769 = arith.extui %le3A_768 : i1 to i32
    %add3A_770 = arith.addi %add3A_764, %convert_element_type3A_769 : i32
    %get3A_771 = arith.constant 127 : i32
    %get3A_772 = arith.index_cast %get3A_771 : i32 to index
    %get3A_773 = memref.load %arg6[%get3A_772] : memref<128xf32, #tpu.memory_space<smem>>
    %le3A_774 = arith.cmpf ole, %get3A_773, %get3A_585 : f32
    %convert_element_type3A_775 = arith.extui %le3A_774 : i1 to i32
    %add3A_776 = arith.addi %add3A_770, %convert_element_type3A_775 : i32
    %mul3A_777 = arith.constant 32 : i32
    %mul3A_778 = arith.muli %add3A_582, %mul3A_777 : i32
    %add3A_779 = arith.addi %mul3A_778, %add3A_776 : i32
    "tpu.region"() ({
      %run_scoped3A = tpu.sem_alloc : memref<!tpu.dma_semaphore, #tpu.memory_space<semaphore_mem>>
      %dma_start3A = arith.constant 0 : i32
      %dma_start3A_780 = tpu.memref_slice %arg3[%add3A_779, %dma_start3A] : memref<1048576x64xf32, #tpu.memory_space<hbm>> -> memref<1x64xf32, #tpu.memory_space<hbm>>
      %dma_start3A_781 = tpu.memref_squeeze %dma_start3A_780 : memref<1x64xf32, #tpu.memory_space<hbm>> -> memref<64xf32, #tpu.memory_space<hbm>>
      tpu.enqueue_dma source(%dma_start3A_781 : memref<64xf32, #tpu.memory_space<hbm>>) target(%arg4 : memref<64xf32, #tpu.memory_space<hbm>>) target_semaphore(%run_scoped3A : memref<!tpu.dma_semaphore, #tpu.memory_space<semaphore_mem>>)
      %dma_wait3A = arith.constant 0 : i32
      %dma_wait3A_782 = tpu.memref_slice %arg3[%add3A_779, %dma_wait3A] : memref<1048576x64xf32, #tpu.memory_space<hbm>> -> memref<1x64xf32, #tpu.memory_space<hbm>>
      %dma_wait3A_783 = tpu.memref_squeeze %dma_wait3A_782 : memref<1x64xf32, #tpu.memory_space<hbm>> -> memref<64xf32, #tpu.memory_space<hbm>>
      tpu.wait_dma2 semaphore(%run_scoped3A : memref<!tpu.dma_semaphore, #tpu.memory_space<semaphore_mem>>) src(%dma_wait3A_783 : memref<64xf32, #tpu.memory_space<hbm>>) dst(%arg4 : memref<64xf32, #tpu.memory_space<hbm>>)
      tpu.yield
    }) : () -> ()
    return
  }
}

</mosaic_0001>

<sc_bundles>
// kernel: kernel.3.cloned.1.call-start
scs
__scs_entry_jumppad:
0x0: {  	(pc) =	sbr.rel $0x88, $3  }
0x1: {  	(tag) =	ssettag $0x0;
	lr =	simm.s32 $0x1  }
0x2: {  	[smem:$0x3F9E] =	sst lr;
	_ =	strace $0xD0000000  }
0x3: {  	_ = 	snop  }
0x4: {  	_ = 	snop  }
0x5: {  	_ = 	snop  }
0x6: {  	_ = 	snop  }
0x7: {  	_ = 	snop  }
__scs_overlays_trampoline_lowered:
0x8: {  	[smem:$0x3FAD] =	sst s0  }
0x9: {  	[smem:$0x3FAE] =	sst s1  }
0xa: {  	[smem:$0x3FAF] =	sst s2  }
0xb: {  	[smem:$0x3FB0] =	sst s3  }
0xc: {  	[smem:$0x3FB1] =	sst s4  }
0xd: {  	[smem:$0x3FB2] =	sst s5  }
0xe: {  	[smem:$0x3FB3] =	sst s6  }
0xf: {  	[smem:$0x3FB4] =	sst s7  }
0x10: {  	[smem:$0x3FB5] =	sst s8  }
0x11: {  	[smem:$0x3FB6] =	sst s9;
	s0 =	simm.s32 @!p0 $0x0  }
0x12: {  	s1 =	sld [smem:$0x3F9C];
	s0 =	simm.s32 @p0 $0x1  }
0x13: {  	[smem:$0x3FB7] =	sst s0;
	s0 =	simm.s32 @!p1 $0x0  }
0x14: {  	s2 =	sld [smem:$0x3F9B];
	s0 =	simm.s32 @p1 $0x1  }
0x15: {  	[smem:$0x3FB8] =	sst s0;
	s0 =	simm.s32 @!p2 $0x0  }
0x16: {  	s3 =	sld [smem:$0x3FDB];
	s0 =	simm.s32 @p2 $0x1  }
0x17: {  	s4 =	simm.s32 $0x1BF5;
	[smem:$0x3FBA] =	sst s0  }
0x18: {  	s0 =	sld [smem:$0x3F9D];
	_ =	swait.ge [sflag:s4], $0x0  }
0x19: {  	s7 =	sld [smem:$0x3F9E]  }
0x1a: {  	s8 =	sadd.s32 $0xFFFFE003, lr  }
0x1b: {  	s9 =	sadd.s32 $0xFFFFFEF7, lr;
	s5 =	simm.s32 $0xFFFFFFFF;
	p2 =	slt.u32 s8, $0xFFFFF086  }
0x1c: {  	p1 =	slt.u32 s9, $0xF7A;
	s5 =	simm.s32 @!p2 $0x0  }
0x1d: {  	s5 =	simm.s32 @p1 $0x1;
	p0 =	seq.s32 s7, s2  }
0x1e: {  	s7 =	smul.u32 @!p0 $0xF7A, s2;
	p2 =	seq.s32 @!p0 s5, $0x0  }
0x1f: {  	s9 =	smul.u32 $0xF7A, s1;
	s8 =	simm.s32 @!p0 $0x1BF5;
	p2 =	por !p2, p0  }
0x20: {  	[sflag:s8] =	ssyncset.s32 @!p0 $0xFFFFF086;
	s6 =	sadd.s32 @!p0 s3, s7;
	s7 =	simm.s32 @!p0 $0x108  }
0x21: {  	s3 =	sadd.s32 s3, s9;
	s6 =	sadd.s32 @!p0 $0x88, s6;
	s7 =	simm.s32 @p2 $0x1082  }
0x22: {  	[simem:s7], [sflag:s8] =	dma.local @!p0 [hbm:s6], $0xF7A  }
0x23: {  	s9 =	sor.u32 $0xD0000000, s2;
	s6 =	simm.s32 $0x108;
	_ =	swait.ge @!p0 [sflag:s8], $0x0  }
0x24: {  	s3 =	sadd.s32 $0x88, s3;
	s6 =	simm.s32 @!p1 $0x1082;
	[sflag:s4] =	ssyncset.s32 $0xFFFFF086  }
0x25: {  	[simem:s6], [sflag:s4] =	dma.local [hbm:s3], $0xF7A  }
0x26: {  	[smem:$0x3F9E] =	sst s1;
	(tag) =	ssettag s2;
	_ =	strace s9  }
0x27: {  	s1 =	sld [smem:$0x3FAE]  }
0x28: {  	s2 =	sld [smem:$0x3FAF]  }
0x29: {  	s4 =	sld [smem:$0x3FB1]  }
0x2a: {  	p0 =	seq.s32 s5, $0x0;
	s5 =	sld [smem:$0x3FB2]  }
0x2b: {  	s6 =	sld [smem:$0x3FB3]  }
0x2c: {  	s7 =	sld [smem:$0x3FB4]  }
0x2d: {  	s3 =	simm.s32 $0x108;
	s8 =	sld [smem:$0x3FB5]  }
0x2e: {  	s3 =	simm.s32 @!p0 $0x1082;
	s9 =	sld [smem:$0x3FB6]  }
0x2f: {  	lr =	sadd.s32 s0, s3;
	s0 =	sld [smem:$0x3FAD]  }
0x30: {  	s3 =	sld [smem:$0x3FB0]  }
0x31: {  	[smem:$0x3FB9] =	sst s10  }
0x32: {  	s10 =	sld [smem:$0x3FB7];
	_ =	sdelay $0x3  }
0x33: {  	p0 =	seq.s32 s10, $0x1;
	s10 =	sld [smem:$0x3FB9];
	_ =	sdelay $0x3  }
0x34: {  	[smem:$0x3FB9] =	sst s10  }
0x35: {  	s10 =	sld [smem:$0x3FB8];
	_ =	sdelay $0x3  }
0x36: {  	p1 =	seq.s32 s10, $0x1;
	s10 =	sld [smem:$0x3FB9];
	_ =	sdelay $0x3  }
0x37: {  	[smem:$0x3FB9] =	sst s10  }
0x38: {  	s10 =	sld [smem:$0x3FBA]  }
0x39: {  	_ = 	snop;
	(pc) =	sbr.ind lr, $3  }
0x3a: {  	_ = 	snop  }
0x3b: {  	_ = 	snop  }
0x3c: {  	p2 =	seq.s32 s10, $0x1;
	s10 =	sld [smem:$0x3FB9]  }
0x3d: {  	_ =	shalt  }
0x3e: {  	_ =	shalt  }
0x3f: {  	_ =	shalt  }
0x40: {  	_ =	shalt  }
0x41: {  	_ =	shalt  }
0x42: {  	_ =	shalt  }
0x43: {  	_ =	shalt  }
0x44: {  	_ =	shalt  }
0x45: {  	_ =	shalt  }
0x46: {  	_ =	shalt  }
0x47: {  	_ =	shalt  }
0x48: {  	_ =	shalt  }
0x49: {  	_ =	shalt  }
0x4a: {  	_ =	shalt  }
0x4b: {  	_ =	shalt  }
0x4c: {  	_ =	shalt  }
0x4d: {  	_ =	shalt  }
0x4e: {  	_ =	shalt  }
0x4f: {  	_ =	shalt  }
0x50: {  	_ =	shalt  }
0x51: {  	_ =	shalt  }
0x52: {  	_ =	shalt  }
0x53: {  	_ =	shalt  }
0x54: {  	_ =	shalt  }
0x55: {  	_ =	shalt  }
0x56: {  	_ =	shalt  }
0x57: {  	_ =	shalt  }
0x58: {  	_ =	shalt  }
0x59: {  	_ =	shalt  }
0x5a: {  	_ =	shalt  }
0x5b: {  	_ =	shalt  }
0x5c: {  	_ =	shalt  }
0x5d: {  	_ =	shalt  }
0x5e: {  	_ =	shalt  }
0x5f: {  	_ =	shalt  }
0x60: {  	_ =	shalt  }
0x61: {  	_ =	shalt  }
0x62: {  	_ =	shalt  }
0x63: {  	_ =	shalt  }
0x64: {  	_ =	shalt  }
0x65: {  	_ =	shalt  }
0x66: {  	_ =	shalt  }
0x67: {  	_ =	shalt  }
0x68: {  	_ =	shalt  }
0x69: {  	_ =	shalt  }
0x6a: {  	_ =	shalt  }
0x6b: {  	_ =	shalt  }
0x6c: {  	_ =	shalt  }
0x6d: {  	_ =	shalt  }
0x6e: {  	_ =	shalt  }
0x6f: {  	_ =	shalt  }
0x70: {  	_ =	shalt  }
0x71: {  	_ =	shalt  }
0x72: {  	_ =	shalt  }
0x73: {  	_ =	shalt  }
0x74: {  	_ =	shalt  }
0x75: {  	_ =	shalt  }
0x76: {  	_ =	shalt  }
0x77: {  	_ =	shalt  }
0x78: {  	_ =	shalt  }
0x79: {  	_ =	shalt  }
0x7a: {  	_ =	shalt  }
0x7b: {  	_ =	shalt  }
0x7c: {  	_ =	shalt  }
0x7d: {  	_ =	shalt  }
0x7e: {  	_ =	shalt  }
0x7f: {  	_ =	shalt  }
0x80: {  	_ =	shalt  }
0x81: {  	_ =	shalt  }
0x82: {  	_ =	shalt  }
0x83: {  	_ =	shalt  }
0x84: {  	_ =	shalt  }
0x85: {  	_ =	shalt  }
0x86: {  	_ =	shalt  }
0x87: {  	_ =	shalt  }
.Lfunc_end0:
.L_simem_size_0:
called_computation_lowered:
.L_overlay_start_0:
0x88: {  	s0 =	sld [smem:$0x3FD9]  }
0x89: {  	s1 =	sld [smem:$0x3FFE];
	_ =	sdelay $0x3  }
0x8a: {  	s0 =	sadd.s32 s1, s0  }
0x8b: {  	s3 =	simm.s32 $0x0;
	[smem:$0x3FC5] =	sst s0  }
0x8c: {  	[smem:$0xF] =	sst s3  }
0x8d: {  	s2 =	sld [smem:$0x3FC9]  }
0x8e: {  	s1 =	sld [smem:$0x3FC7];
	(tm) =	ssettm $0x1  }
0x8f: {  	s25 =	sld [smem:$0x3FFB];
	_ =	sdelay $0x3  }
0x90: {  	_ =	strace s25  }
0x91: {  	s3 =	sld [smem:$0x3FFC];
	_ =	sdelay $0x3  }
0x92: {  	_ =	strace s3  }
0x93: {  	s3 =	sld [smem:$0x3FFD];
	_ =	sdelay $0x3  }
0x94: {  	_ =	strace s3  }
0x95: {  	s26 =	simm.s32 $0x1B8B;
	_ =	strace $0x8FFFFFFF  }
0x96: {  	_ =	swait.ge [sflag:s26], $0x1  }
0x97: {  	[sflag:s26] =	ssyncset.done $0x0  }
0x98: {  	s4 =	simm.s32 $0x1B8E;
	s28 =	sld [smem:$0x3FFE];
	[sflag:s26] =	ssyncadd.s32 $0xFFFFFFFF  }
0x99: {  	[smem:$0x3FD2] =	sst s4  }
0x9a: {  	s29 =	simm.s32 $0x9;
	s5 =	simm.s32 $0x10;
	_ =	strace $0x80000046  }
0x9b: {  	[smem:s5], [sflag:s29] =	dma.local [hbm:s2], $0x10  }
0x9c: {  	s31 =	simm.s32 $0xA;
	s0 =	simm.s32 $0x90;
	s30 =	sadd.s32 $0x400, s28  }
0x9d: {  	[smem:s0], [sflag:s31] =	dma.local [hbm:s30], $0x10  }
0x9e: {  	_ =	swait.ge [sflag:s29], $0x10  }
0x9f: {  	[sflag:s29] =	ssyncset.done $0x0  }
0xa0: {  	[sflag:s29] =	ssyncadd.s32 $0xFFFFFFF0;
	_ =	sdelay $0x2  }
0xa1: {  	_ =	swait.ge [sflag:s31], $0x10  }
0xa2: {  	[sflag:s31] =	ssyncset.done $0x0  }
0xa3: {  	[sflag:s31] =	ssyncadd.s32 $0xFFFFFFF0  }
0xa4: {  	s17 =	sld [smem:$0xE4]  }
0xa5: {  	s16 =	sld [smem:$0xE0]  }
0xa6: {  	s15 =	sld [smem:$0xDC]  }
0xa7: {  	s14 =	sld [smem:$0xD8]  }
0xa8: {  	s13 =	sld [smem:$0xD4]  }
0xa9: {  	s12 =	sld [smem:$0xD0]  }
0xaa: {  	s11 =	sld [smem:$0xCC]  }
0xab: {  	s10 =	sld [smem:$0xC8]  }
0xac: {  	s9 =	sld [smem:$0xC4]  }
0xad: {  	s8 =	sld [smem:$0xC0]  }
0xae: {  	s7 =	sld [smem:$0xBC]  }
0xaf: {  	s4 =	sld [smem:$0x90]  }
0xb0: {  	s24 =	sld [smem:$0x10]  }
0xb1: {  	s3 =	sld [smem:$0x94]  }
0xb2: {  	s5 =	sld [smem:$0x98]  }
0xb3: {  	s26 =	sld [smem:$0x9C]  }
0xb4: {  	s6 =	sld [smem:$0xA0]  }
0xb5: {  	s28 =	sld [smem:$0xA4]  }
0xb6: {  	s29 =	sld [smem:$0xA8]  }
0xb7: {  	s30 =	sld [smem:$0xAC]  }
0xb8: {  	s31 =	sld [smem:$0xB0]  }
0xb9: {  	s0 =	sld [smem:$0xB4]  }
0xba: {  	p1 =	sle.f32 s4, s24;
	p2 =	sle.f32 s3, s24  }
0xbb: {  	p3 =	sle.f32 s5, s24;
	p4 =	sle.f32 s26, s24  }
0xbc: {  	p5 =	sle.f32 s6, s24;
	p6 =	sle.f32 s28, s24  }
0xbd: {  	s2 =	simm.s32 $0x1;
	s26 =	sld [smem:$0xB8];
	p0 =	sle.f32 s29, s24  }
0xbe: {  	s3 =	simm.s32 $0x1;
	s4 =	simm.s32 $0x1;
	s5 =	simm.s32 $0x1  }
0xbf: {  	s6 =	simm.s32 $0x1;
	s2 =	simm.s32 @!p1 $0x0;
	p1 =	sle.f32 s30, s24  }
0xc0: {  	s3 =	simm.s32 @!p2 $0x0;
	p2 =	sle.f32 s31, s24;
	s4 =	simm.s32 @!p3 $0x0  }
0xc1: {  	s6 =	simm.s32 @!p5 $0x0;
	p5 =	sle.f32 s7, s24;
	s7 =	simm.s32 $0x1  }
0xc2: {  	p3 =	sle.f32 s0, s24;
	s5 =	simm.s32 @!p4 $0x0;
	s7 =	simm.s32 @!p6 $0x0  }
0xc3: {  	p6 =	sle.f32 s8, s24;
	s8 =	simm.s32 $0x1;
	p4 =	sle.f32 s26, s24  }
0xc4: {  	s8 =	simm.s32 @!p0 $0x0;
	p0 =	sle.f32 s9, s24;
	s9 =	simm.s32 $0x1  }
0xc5: {  	s9 =	simm.s32 @!p1 $0x0;
	p1 =	sle.f32 s10, s24;
	s10 =	simm.s32 $0x1  }
0xc6: {  	s10 =	simm.s32 @!p2 $0x0;
	p2 =	sle.f32 s11, s24;
	s11 =	simm.s32 $0x1  }
0xc7: {  	s11 =	simm.s32 @!p3 $0x0;
	p3 =	sle.f32 s12, s24;
	s12 =	simm.s32 $0x1  }
0xc8: {  	s12 =	simm.s32 @!p4 $0x0;
	p4 =	sle.f32 s13, s24;
	s13 =	simm.s32 $0x1  }
0xc9: {  	s13 =	simm.s32 @!p5 $0x0;
	p5 =	sle.f32 s14, s24;
	s14 =	simm.s32 $0x1  }
0xca: {  	s14 =	simm.s32 @!p6 $0x0;
	p6 =	sle.f32 s15, s24;
	s15 =	simm.s32 $0x1  }
0xcb: {  	s15 =	simm.s32 @!p0 $0x0;
	p0 =	sle.f32 s16, s24;
	_ =	sdelay $0x1  }
0xcc: {  	s22 =	sld [smem:$0xF4];
	s0 =	simm.s32 @!p0 $0x0  }
0xcd: {  	s0 =	simm.s32 @p0 $0x1;
	p0 =	sle.f32 s17, s24  }
0xce: {  	s21 =	sld [smem:$0xF8]  }
0xcf: {  	[smem:$0x3F55] =	sst s0;
	s0 =	simm.s32 @!p0 $0x0  }
0xd0: {  	s0 =	simm.s32 @p0 $0x1;
	p0 =	sle.f32 s22, s24  }
0xd1: {  	s19 =	sld [smem:$0xFC]  }
0xd2: {  	[smem:$0x3F56] =	sst s0;
	s0 =	simm.s32 @!p0 $0x0  }
0xd3: {  	s0 =	simm.s32 @p0 $0x1;
	p0 =	sle.f32 s21, s24  }
0xd4: {  	s26 =	sld [smem:$0x100]  }
0xd5: {  	[smem:$0x3F57] =	sst s0;
	s0 =	simm.s32 @!p0 $0x0  }
0xd6: {  	s0 =	simm.s32 @p0 $0x1;
	p0 =	sle.f32 s19, s24  }
0xd7: {  	s30 =	sld [smem:$0x104]  }
0xd8: {  	[smem:$0x3F58] =	sst s0;
	s0 =	simm.s32 @!p0 $0x0  }
0xd9: {  	s0 =	simm.s32 @p0 $0x1;
	p0 =	sle.f32 s26, s24  }
0xda: {  	s31 =	sld [smem:$0x108]  }
0xdb: {  	[smem:$0x3F59] =	sst s0;
	s0 =	simm.s32 @!p0 $0x0  }
0xdc: {  	s0 =	simm.s32 @p0 $0x1;
	p0 =	sle.f32 s30, s24  }
0xdd: {  	s29 =	sld [smem:$0x10C]  }
0xde: {  	[smem:$0x3F5A] =	sst s0;
	s0 =	simm.s32 @!p0 $0x0  }
0xdf: {  	s28 =	sld [smem:$0x91];
	s0 =	simm.s32 @p0 $0x1;
	p0 =	sle.f32 s31, s24  }
0xe0: {  	s22 =	sld [smem:$0x11]  }
0xe1: {  	[smem:$0x3F5B] =	sst s0;
	s0 =	simm.s32 @!p0 $0x0  }
0xe2: {  	s0 =	simm.s32 @p0 $0x1;
	p0 =	sle.f32 s29, s24  }
0xe3: {  	s30 =	sld [smem:$0x95]  }
0xe4: {  	[smem:$0x3F5C] =	sst s0;
	s0 =	simm.s32 @!p0 $0x0  }
0xe5: {  	s0 =	simm.s32 @p0 $0x1;
	p0 =	sle.f32 s28, s22  }
0xe6: {  	s31 =	sld [smem:$0x99]  }
0xe7: {  	[smem:$0x3F5D] =	sst s0;
	s0 =	simm.s32 @!p0 $0x0  }
0xe8: {  	s19 =	simm.s32 $0x1;
	s0 =	simm.s32 @p0 $0x1;
	p0 =	sle.f32 s30, s22  }
0xe9: {  	s19 =	simm.s32 @!p4 $0x0;
	s26 =	sld [smem:$0x9D]  }
0xea: {  	p4 =	sle.f32 s31, s22;
	[smem:$0x3F5E] =	sst s0;
	s0 =	simm.s32 @!p0 $0x0  }
0xeb: {  	s29 =	sld [smem:$0xA1];
	s0 =	simm.s32 @p0 $0x1  }
0xec: {  	[smem:$0x3F5F] =	sst s0;
	s0 =	simm.s32 @!p4 $0x0  }
0xed: {  	s0 =	simm.s32 @p4 $0x1;
	p4 =	sle.f32 s26, s22  }
0xee: {  	s30 =	sld [smem:$0xA5]  }
0xef: {  	[smem:$0x3F60] =	sst s0;
	s0 =	simm.s32 @!p4 $0x0  }
0xf0: {  	s0 =	simm.s32 @p4 $0x1;
	p4 =	sle.f32 s29, s22  }
0xf1: {  	s31 =	sld [smem:$0xA9]  }
0xf2: {  	[smem:$0x3F61] =	sst s0;
	s0 =	simm.s32 @!p4 $0x0  }
0xf3: {  	s0 =	simm.s32 @p4 $0x1;
	p4 =	sle.f32 s30, s22  }
0xf4: {  	s26 =	sld [smem:$0xAD]  }
0xf5: {  	[smem:$0x3F62] =	sst s0;
	s0 =	simm.s32 @!p4 $0x0  }
0xf6: {  	s0 =	simm.s32 @p4 $0x1;
	p4 =	sle.f32 s31, s22  }
0xf7: {  	s28 =	sld [smem:$0xB1]  }
0xf8: {  	[smem:$0x3F63] =	sst s0;
	s0 =	simm.s32 @!p4 $0x0  }
0xf9: {  	s0 =	simm.s32 @p4 $0x1;
	p4 =	sle.f32 s26, s22  }
0xfa: {  	s29 =	sld [smem:$0xB5]  }
0xfb: {  	[smem:$0x3F64] =	sst s0;
	s0 =	simm.s32 @!p4 $0x0  }
0xfc: {  	s0 =	simm.s32 @p4 $0x1;
	p4 =	sle.f32 s28, s22  }
0xfd: {  	s30 =	sld [smem:$0xB9]  }
0xfe: {  	[smem:$0x3F65] =	sst s0;
	s0 =	simm.s32 @!p4 $0x0  }
0xff: {  	s0 =	simm.s32 @p4 $0x1;
	p4 =	sle.f32 s29, s22  }
0x100: {  	s31 =	sld [smem:$0xBD]  }
0x101: {  	[smem:$0x3F66] =	sst s0;
	s0 =	simm.s32 @!p4 $0x0  }
0x102: {  	s0 =	simm.s32 @p4 $0x1;
	p4 =	sle.f32 s30, s22  }
0x103: {  	s26 =	sld [smem:$0xC1]  }
0x104: {  	[smem:$0x3F67] =	sst s0;
	s0 =	simm.s32 @!p4 $0x0  }
0x105: {  	s0 =	simm.s32 @p4 $0x1;
	p4 =	sle.f32 s31, s22  }
0x106: {  	s28 =	sld [smem:$0xC5]  }
0x107: {  	[smem:$0x3F68] =	sst s0;
	s0 =	simm.s32 @!p4 $0x0  }
0x108: {  	s0 =	simm.s32 @p4 $0x1;
	p4 =	sle.f32 s26, s22  }
0x109: {  	s29 =	sld [smem:$0xC9]  }
0x10a: {  	[smem:$0x3F69] =	sst s0;
	s0 =	simm.s32 @!p4 $0x0  }
0x10b: {  	s0 =	simm.s32 @p4 $0x1;
	p4 =	sle.f32 s28, s22  }
0x10c: {  	s30 =	sld [smem:$0xCD]  }
0x10d: {  	[smem:$0x3F6A] =	sst s0;
	s0 =	simm.s32 @!p4 $0x0  }
0x10e: {  	s0 =	simm.s32 @p4 $0x1;
	p4 =	sle.f32 s29, s22  }
0x10f: {  	s31 =	sld [smem:$0xD1]  }
0x110: {  	[smem:$0x3F6B] =	sst s0;
	s0 =	simm.s32 @!p4 $0x0  }
0x111: {  	s0 =	simm.s32 @p4 $0x1;
	p4 =	sle.f32 s30, s22  }
0x112: {  	s26 =	sld [smem:$0xD5]  }
0x113: {  	[smem:$0x3F6C] =	sst s0;
	s0 =	simm.s32 @!p4 $0x0  }
0x114: {  	s0 =	simm.s32 @p4 $0x1;
	p4 =	sle.f32 s31, s22  }
0x115: {  	s28 =	sld [smem:$0xD9]  }
0x116: {  	[smem:$0x3F6D] =	sst s0;
	s0 =	simm.s32 @!p4 $0x0  }
0x117: {  	s0 =	simm.s32 @p4 $0x1;
	p4 =	sle.f32 s26, s22  }
0x118: {  	s29 =	sld [smem:$0xDD]  }
0x119: {  	[smem:$0x3F6E] =	sst s0;
	s0 =	simm.s32 @!p4 $0x0  }
0x11a: {  	s0 =	simm.s32 @p4 $0x1;
	p4 =	sle.f32 s28, s22  }
0x11b: {  	s30 =	sld [smem:$0xE1]  }
0x11c: {  	[smem:$0x3F6F] =	sst s0;
	s0 =	simm.s32 @!p4 $0x0  }
0x11d: {  	s0 =	simm.s32 @p4 $0x1;
	p4 =	sle.f32 s29, s22  }
0x11e: {  	s31 =	sld [smem:$0xE5]  }
0x11f: {  	[smem:$0x3F70] =	sst s0;
	s0 =	simm.s32 @!p4 $0x0  }
0x120: {  	s0 =	simm.s32 @p4 $0x1;
	p4 =	sle.f32 s30, s22  }
0x121: {  	s26 =	sld [smem:$0xE9]  }
0x122: {  	[smem:$0x3F71] =	sst s0;
	s0 =	simm.s32 @!p4 $0x0  }
0x123: {  	s0 =	simm.s32 @p4 $0x1;
	p4 =	sle.f32 s31, s22  }
0x124: {  	s28 =	sld [smem:$0xED]  }
0x125: {  	[smem:$0x3F72] =	sst s0;
	s0 =	simm.s32 @!p4 $0x0  }
0x126: {  	s0 =	simm.s32 @p4 $0x1;
	p4 =	sle.f32 s26, s22  }
0x127: {  	s29 =	sld [smem:$0xF1]  }
0x128: {  	[smem:$0x3F73] =	sst s0;
	s0 =	simm.s32 @!p4 $0x0  }
0x129: {  	s0 =	simm.s32 @p4 $0x1;
	p4 =	sle.f32 s28, s22  }
0x12a: {  	s30 =	sld [smem:$0xF5]  }
0x12b: {  	[smem:$0x3F74] =	sst s0;
	s0 =	simm.s32 @!p4 $0x0  }
0x12c: {  	s0 =	simm.s32 @p4 $0x1;
	p4 =	sle.f32 s29, s22  }
0x12d: {  	s31 =	sld [smem:$0xF9]  }
0x12e: {  	[smem:$0x3F75] =	sst s0;
	s0 =	simm.s32 @!p4 $0x0  }
0x12f: {  	s0 =	simm.s32 @p4 $0x1;
	p4 =	sle.f32 s30, s22  }
0x130: {  	s26 =	sld [smem:$0xFD]  }
0x131: {  	[smem:$0x3F76] =	sst s0;
	s0 =	simm.s32 @!p4 $0x0  }
0x132: {  	s20 =	sld [smem:$0x92];
	s0 =	simm.s32 @p4 $0x1;
	p4 =	sle.f32 s31, s22  }
0x133: {  	s28 =	sld [smem:$0x101]  }
0x134: {  	[smem:$0x3F77] =	sst s0;
	s0 =	simm.s32 @!p4 $0x0  }
0x135: {  	s23 =	sld [smem:$0xF0];
	s0 =	simm.s32 @p4 $0x1;
	p4 =	sle.f32 s26, s22  }
0x136: {  	s29 =	sld [smem:$0x105]  }
0x137: {  	[smem:$0x3F78] =	sst s0;
	s0 =	simm.s32 @!p4 $0x0  }
0x138: {  	s25 =	sld [smem:$0xEC];
	s0 =	simm.s32 @p4 $0x1;
	p4 =	sle.f32 s28, s22  }
0x139: {  	s30 =	sld [smem:$0x109]  }
0x13a: {  	[smem:$0x3F79] =	sst s0;
	s0 =	simm.s32 @!p4 $0x0  }
0x13b: {  	s18 =	sld [smem:$0xE8];
	s0 =	simm.s32 @p4 $0x1;
	p4 =	sle.f32 s29, s22  }
0x13c: {  	s16 =	simm.s32 $0x1;
	s31 =	sld [smem:$0x10D]  }
0x13d: {  	s16 =	simm.s32 @!p1 $0x0;
	[smem:$0x3F7A] =	sst s0;
	s0 =	simm.s32 @!p4 $0x0  }
0x13e: {  	s17 =	simm.s32 $0x1;
	s0 =	simm.s32 @p4 $0x1;
	p4 =	sle.f32 s30, s22  }
0x13f: {  	p1 =	sle.f32 s25, s24;
	s17 =	simm.s32 @!p2 $0x0;
	s21 =	sld [smem:$0x12]  }
0x140: {  	p2 =	sle.f32 s18, s24;
	[smem:$0x3F7B] =	sst s0;
	s0 =	simm.s32 @!p4 $0x0  }
0x141: {  	s18 =	simm.s32 $0x1;
	s0 =	simm.s32 @p4 $0x1;
	p4 =	sle.f32 s31, s22  }
0x142: {  	s18 =	simm.s32 @!p3 $0x0;
	p3 =	sle.f32 s23, s24;
	s24 =	sld [smem:$0x96]  }
0x143: {  	[smem:$0x3F7C] =	sst s0;
	s0 =	simm.s32 @!p4 $0x0  }
0x144: {  	s0 =	simm.s32 @p4 $0x1;
	p4 =	sle.f32 s20, s21  }
0x145: {  	s25 =	sld [smem:$0x9A]  }
0x146: {  	[smem:$0x3F7D] =	sst s0;
	s0 =	simm.s32 @!p4 $0x0  }
0x147: {  	s0 =	simm.s32 @p4 $0x1;
	p4 =	sle.f32 s24, s21  }
0x148: {  	s28 =	sld [smem:$0x9E]  }
0x149: {  	[smem:$0x3F7E] =	sst s0;
	s0 =	simm.s32 @!p4 $0x0  }
0x14a: {  	s0 =	simm.s32 @p4 $0x1;
	p4 =	sle.f32 s25, s21  }
0x14b: {  	s29 =	sld [smem:$0xA2]  }
0x14c: {  	[smem:$0x3F7F] =	sst s0;
	s0 =	simm.s32 @!p4 $0x0  }
0x14d: {  	s0 =	simm.s32 @p4 $0x1;
	p4 =	sle.f32 s28, s21  }
0x14e: {  	s30 =	sld [smem:$0xA6]  }
0x14f: {  	[smem:$0x3F80] =	sst s0;
	s0 =	simm.s32 @!p4 $0x0  }
0x150: {  	s0 =	simm.s32 @p4 $0x1;
	p4 =	sle.f32 s29, s21  }
0x151: {  	s31 =	sld [smem:$0xAA]  }
0x152: {  	[smem:$0x3F81] =	sst s0;
	s0 =	simm.s32 @!p4 $0x0  }
0x153: {  	s0 =	simm.s32 @p4 $0x1;
	p4 =	sle.f32 s30, s21  }
0x154: {  	s26 =	sld [smem:$0xAE]  }
0x155: {  	[smem:$0x3F82] =	sst s0;
	s0 =	simm.s32 @!p4 $0x0  }
0x156: {  	s0 =	simm.s32 @p4 $0x1;
	p4 =	sle.f32 s31, s21  }
0x157: {  	s28 =	sld [smem:$0xB2]  }
0x158: {  	[smem:$0x3F83] =	sst s0;
	s0 =	simm.s32 @!p4 $0x0  }
0x159: {  	s0 =	simm.s32 @p4 $0x1;
	p4 =	sle.f32 s26, s21  }
0x15a: {  	s29 =	sld [smem:$0xB6]  }
0x15b: {  	[smem:$0x3F84] =	sst s0;
	s0 =	simm.s32 @!p4 $0x0  }
0x15c: {  	s0 =	simm.s32 @p4 $0x1;
	p4 =	sle.f32 s28, s21  }
0x15d: {  	s30 =	sld [smem:$0xBA]  }
0x15e: {  	[smem:$0x3F85] =	sst s0;
	s0 =	simm.s32 @!p4 $0x0  }
0x15f: {  	s0 =	simm.s32 @p4 $0x1;
	p4 =	sle.f32 s29, s21  }
0x160: {  	s31 =	sld [smem:$0xBE]  }
0x161: {  	[smem:$0x3F86] =	sst s0;
	s0 =	simm.s32 @!p4 $0x0  }
0x162: {  	s0 =	simm.s32 @p4 $0x1;
	p4 =	sle.f32 s30, s21  }
0x163: {  	s26 =	sld [smem:$0xC2]  }
0x164: {  	[smem:$0x3F87] =	sst s0;
	s0 =	simm.s32 @!p4 $0x0  }
0x165: {  	s0 =	simm.s32 @p4 $0x1;
	p4 =	sle.f32 s31, s21  }
0x166: {  	s28 =	sld [smem:$0xC6]  }
0x167: {  	[smem:$0x3F88] =	sst s0;
	s0 =	simm.s32 @!p4 $0x0  }
0x168: {  	s0 =	simm.s32 @p4 $0x1;
	p4 =	sle.f32 s26, s21  }
0x169: {  	s29 =	sld [smem:$0xCA]  }
0x16a: {  	[smem:$0x3F89] =	sst s0;
	s0 =	simm.s32 @!p4 $0x0  }
0x16b: {  	s0 =	simm.s32 @p4 $0x1;
	p4 =	sle.f32 s28, s21  }
0x16c: {  	s30 =	sld [smem:$0xCE]  }
0x16d: {  	[smem:$0x3F8A] =	sst s0;
	s0 =	simm.s32 @!p4 $0x0  }
0x16e: {  	s0 =	simm.s32 @p4 $0x1;
	p4 =	sle.f32 s29, s21  }
0x16f: {  	s31 =	sld [smem:$0xD2]  }
0x170: {  	[smem:$0x3F8B] =	sst s0;
	s0 =	simm.s32 @!p4 $0x0  }
0x171: {  	s0 =	simm.s32 @p4 $0x1;
	p4 =	sle.f32 s30, s21  }
0x172: {  	s26 =	sld [smem:$0xD6]  }
0x173: {  	[smem:$0x3F8C] =	sst s0;
	s0 =	simm.s32 @!p4 $0x0  }
0x174: {  	s0 =	simm.s32 @p4 $0x1;
	p4 =	sle.f32 s31, s21  }
0x175: {  	s28 =	sld [smem:$0xDA]  }
0x176: {  	[smem:$0x3F8D] =	sst s0;
	s0 =	simm.s32 @!p4 $0x0  }
0x177: {  	s0 =	simm.s32 @p4 $0x1;
	p4 =	sle.f32 s26, s21  }
0x178: {  	s29 =	sld [smem:$0xDE]  }
0x179: {  	[smem:$0x3F8E] =	sst s0;
	s0 =	simm.s32 @!p4 $0x0  }
0x17a: {  	s0 =	simm.s32 @p4 $0x1;
	p4 =	sle.f32 s28, s21  }
0x17b: {  	s30 =	sld [smem:$0xE2]  }
0x17c: {  	[smem:$0x3F8F] =	sst s0;
	s0 =	simm.s32 @!p4 $0x0  }
0x17d: {  	s0 =	simm.s32 @p4 $0x1;
	p4 =	sle.f32 s29, s21  }
0x17e: {  	s31 =	sld [smem:$0xE6]  }
0x17f: {  	[smem:$0x3F90] =	sst s0;
	s0 =	simm.s32 @!p4 $0x0  }
0x180: {  	s0 =	simm.s32 @p4 $0x1;
	p4 =	sle.f32 s30, s21  }
0x181: {  	s26 =	sld [smem:$0xEA]  }
0x182: {  	[smem:$0x3F91] =	sst s0;
	s0 =	simm.s32 @!p4 $0x0  }
0x183: {  	s0 =	simm.s32 @p4 $0x1;
	p4 =	sle.f32 s31, s21  }
0x184: {  	s28 =	sld [smem:$0xEE]  }
0x185: {  	[smem:$0x3F92] =	sst s0;
	s0 =	simm.s32 @!p4 $0x0  }
0x186: {  	s0 =	simm.s32 @p4 $0x1;
	p4 =	sle.f32 s26, s21  }
0x187: {  	s2 =	sadd.s32 s3, s2;
	s29 =	sld [smem:$0xF2]  }
0x188: {  	s2 =	sadd.s32 s4, s2;
	[smem:$0x3F93] =	sst s0;
	s0 =	simm.s32 @!p4 $0x0  }
0x189: {  	s3 =	sld [smem:$0x3F59];
	s0 =	simm.s32 @p4 $0x1;
	p4 =	sle.f32 s28, s21  }
0x18a: {  	s2 =	sadd.s32 s5, s2;
	s30 =	sld [smem:$0xF6]  }
0x18b: {  	s5 =	simm.s32 $0x1;
	[smem:$0x3F94] =	sst s0;
	s0 =	simm.s32 @!p4 $0x0  }
0x18c: {  	s4 =	sld [smem:$0x3F5A];
	s0 =	simm.s32 @p4 $0x1;
	p4 =	sle.f32 s29, s21  }
0x18d: {  	s2 =	sadd.s32 s6, s2;
	s6 =	simm.s32 $0x1;
	s31 =	sld [smem:$0xFA]  }
0x18e: {  	s2 =	sadd.s32 s7, s2;
	[smem:$0x3F95] =	sst s0;
	s0 =	simm.s32 @!p4 $0x0  }
0x18f: {  	s26 =	sld [smem:$0xFE];
	s0 =	simm.s32 @p4 $0x1;
	p4 =	sle.f32 s30, s21  }
0x190: {  	s7 =	simm.s32 $0x1;
	s23 =	simm.s32 $0x1;
	s28 =	sld [smem:$0x102]  }
0x191: {  	s24 =	simm.s32 $0x1;
	[smem:$0x3F96] =	sst s0;
	s0 =	simm.s32 @!p4 $0x0  }
0x192: {  	s29 =	sld [smem:$0x106];
	s0 =	simm.s32 @p4 $0x1;
	p4 =	sle.f32 s31, s21  }
0x193: {  	s22 =	simm.s32 $0x1;
	s24 =	simm.s32 @!p5 $0x0;
	s31 =	sld [smem:$0x10E]  }
0x194: {  	s25 =	simm.s32 $0x1;
	[smem:$0x3F97] =	sst s0;
	s0 =	simm.s32 @!p4 $0x0  }
0x195: {  	s30 =	sld [smem:$0x10A];
	s0 =	simm.s32 @p4 $0x1;
	p4 =	sle.f32 s26, s21  }
0x196: {  	s25 =	simm.s32 @!p6 $0x0;
	p6 =	sle.f32 s29, s21;
	s29 =	sld [smem:$0x3F56]  }
0x197: {  	[smem:$0x3F98] =	sst s0;
	p5 =	sle.f32 s31, s21;
	s0 =	simm.s32 @!p4 $0x0  }
0x198: {  	s31 =	sld [smem:$0x3F58];
	s0 =	simm.s32 @p4 $0x1;
	p4 =	sle.f32 s28, s21  }
0x199: {  	s22 =	simm.s32 @!p3 $0x0;
	s20 =	simm.s32 $0x1;
	s28 =	sld [smem:$0x3F55]  }
0x19a: {  	s20 =	simm.s32 @!p2 $0x0;
	[smem:$0x3F99] =	sst s0;
	s0 =	simm.s32 @!p4 $0x0  }
0x19b: {  	s0 =	simm.s32 @p4 $0x1;
	p4 =	sle.f32 s30, s21;
	s30 =	sld [smem:$0x3F57]  }
0x19c: {  	s26 =	simm.s32 $0x1;
	s21 =	simm.s32 $0x1;
	[smem:$0x3F9A] =	sst s0  }
0x19d: {  	p0 =	seq.s32 s28, $0x1;
	s28 =	simm.s32 $0x1;
	s21 =	simm.s32 @!p1 $0x0  }
0x19e: {  	s0 =	simm.s32 $0x1;
	s26 =	simm.s32 @!p0 $0x0;
	p0 =	seq.s32 s29, $0x1  }
0x19f: {  	s29 =	sadd.s32 s8, s2;
	s2 =	simm.s32 $0x1;
	s8 =	sld [smem:$0x3F5C]  }
0x1a0: {  	s28 =	simm.s32 @!p0 $0x0;
	p0 =	seq.s32 s30, $0x1;
	s30 =	sld [smem:$0x3F5B]  }
0x1a1: {  	s23 =	simm.s32 @!p0 $0x0;
	p0 =	seq.s32 s31, $0x1;
	s31 =	sadd.s32 s9, s29  }
0x1a2: {  	s29 =	sld [smem:$0x3F68];
	s5 =	simm.s32 @!p0 $0x0;
	p0 =	seq.s32 s3, $0x1  }
0x1a3: {  	s3 =	simm.s32 $0x1;
	s9 =	sadd.s32 s10, s31;
	s10 =	sld [smem:$0x3F5D]  }
0x1a4: {  	s31 =	sld [smem:$0x3F6A];
	s6 =	simm.s32 @!p0 $0x0;
	p0 =	seq.s32 s4, $0x1  }
0x1a5: {  	s4 =	simm.s32 $0x1;
	s7 =	simm.s32 @!p0 $0x0;
	p0 =	seq.s32 s30, $0x1  }
0x1a6: {  	s30 =	sld [smem:$0x3F69];
	s2 =	simm.s32 @!p0 $0x0;
	p0 =	seq.s32 s8, $0x1  }
0x1a7: {  	s8 =	sadd.s32 s11, s9;
	s9 =	simm.s32 $0x1;
	s11 =	sld [smem:$0x3F5E]  }
0x1a8: {  	s3 =	simm.s32 @!p0 $0x0;
	p0 =	seq.s32 s10, $0x1;
	s8 =	sadd.s32 s12, s8  }
0x1a9: {  	s10 =	simm.s32 $0x1;
	s12 =	sld [smem:$0x3F5F];
	s8 =	sadd.s32 s13, s8  }
0x1aa: {  	s4 =	simm.s32 @!p0 $0x0;
	s13 =	sld [smem:$0x3F60];
	s8 =	sadd.s32 s14, s8  }
0x1ab: {  	s14 =	sld [smem:$0x3F61];
	p0 =	seq.s32 s11, $0x1;
	s11 =	simm.s32 $0x1  }
0x1ac: {  	s8 =	sadd.s32 s15, s8;
	s15 =	sld [smem:$0x3F62];
	s9 =	simm.s32 @!p0 $0x0  }
0x1ad: {  	p0 =	seq.s32 s12, $0x1;
	s12 =	simm.s32 $0x1;
	s8 =	sadd.s32 s16, s8  }
0x1ae: {  	s16 =	sld [smem:$0x3F63];
	s10 =	simm.s32 @!p0 $0x0;
	p0 =	seq.s32 s13, $0x1  }
0x1af: {  	s13 =	simm.s32 $0x1;
	s8 =	sadd.s32 s17, s8;
	s17 =	sld [smem:$0x3F64]  }
0x1b0: {  	s11 =	simm.s32 @!p0 $0x0;
	p0 =	seq.s32 s14, $0x1;
	s14 =	simm.s32 $0x1  }
0x1b1: {  	s8 =	sadd.s32 s18, s8;
	s18 =	sld [smem:$0x3F65];
	s9 =	sadd.s32 s10, s9  }
0x1b2: {  	s10 =	sld [smem:$0x3F72];
	s12 =	simm.s32 @!p0 $0x0;
	p0 =	seq.s32 s15, $0x1  }
0x1b3: {  	s15 =	simm.s32 $0x1;
	s8 =	sadd.s32 s19, s8;
	s19 =	sld [smem:$0x3F66]  }
0x1b4: {  	s13 =	simm.s32 @!p0 $0x0;
	p0 =	seq.s32 s16, $0x1;
	s16 =	simm.s32 $0x1  }
0x1b5: {  	s8 =	sadd.s32 s24, s8;
	s24 =	sld [smem:$0x3F67];
	s14 =	simm.s32 @!p0 $0x0  }
0x1b6: {  	p0 =	seq.s32 s17, $0x1;
	s17 =	simm.s32 $0x1;
	s8 =	sadd.s32 s25, s8  }
0x1b7: {  	s25 =	simm.s32 $0x1;
	s15 =	simm.s32 @!p0 $0x0;
	p0 =	seq.s32 s18, $0x1  }
0x1b8: {  	s18 =	simm.s32 $0x1;
	s8 =	sadd.s32 s26, s8;
	s26 =	sld [smem:$0x3F6B]  }
0x1b9: {  	s16 =	simm.s32 @!p0 $0x0;
	p0 =	seq.s32 s19, $0x1;
	s19 =	simm.s32 $0x1  }
0x1ba: {  	s8 =	sadd.s32 s28, s8;
	s28 =	sld [smem:$0x3F6C];
	s17 =	simm.s32 @!p0 $0x0  }
0x1bb: {  	p0 =	seq.s32 s24, $0x1;
	s24 =	simm.s32 $0x1;
	s8 =	sadd.s32 s20, s8  }
0x1bc: {  	s20 =	simm.s32 $0x1;
	s18 =	simm.s32 @!p0 $0x0;
	p0 =	seq.s32 s29, $0x1  }
0x1bd: {  	s8 =	sadd.s32 s21, s8;
	s21 =	simm.s32 $0x1;
	s29 =	sld [smem:$0x3F6D]  }
0x1be: {  	s19 =	simm.s32 @!p0 $0x0;
	p0 =	seq.s32 s30, $0x1;
	s8 =	sadd.s32 s22, s8  }
0x1bf: {  	s22 =	simm.s32 $0x1;
	s30 =	sld [smem:$0x3F6E];
	s24 =	simm.s32 @!p0 $0x0  }
0x1c0: {  	p0 =	seq.s32 s31, $0x1;
	s8 =	sadd.s32 s23, s8;
	s23 =	simm.s32 $0x1  }
0x1c1: {  	s31 =	sld [smem:$0x3F6F];
	s25 =	simm.s32 @!p0 $0x0;
	p0 =	seq.s32 s26, $0x1  }
0x1c2: {  	s5 =	sadd.s32 s5, s8;
	s26 =	simm.s32 $0x1;
	s8 =	sld [smem:$0x3F71]  }
0x1c3: {  	s20 =	simm.s32 @!p0 $0x0;
	p0 =	seq.s32 s28, $0x1;
	s5 =	sadd.s32 s6, s5  }
0x1c4: {  	s28 =	simm.s32 $0x1;
	s6 =	sld [smem:$0x3F70];
	s21 =	simm.s32 @!p0 $0x0  }
0x1c5: {  	p0 =	seq.s32 s29, $0x1;
	s5 =	sadd.s32 s7, s5;
	s29 =	simm.s32 $0x1  }
0x1c6: {  	s7 =	simm.s32 $0x1;
	s22 =	simm.s32 @!p0 $0x0;
	p0 =	seq.s32 s30, $0x1  }
0x1c7: {  	s30 =	simm.s32 $0x1;
	s23 =	simm.s32 @!p0 $0x0;
	p0 =	seq.s32 s31, $0x1  }
0x1c8: {  	s2 =	sadd.s32 s2, s5;
	s5 =	sld [smem:$0x13];
	s26 =	simm.s32 @!p0 $0x0  }
0x1c9: {  	p0 =	seq.s32 s6, $0x1;
	s6 =	sadd.s32 s11, s9;
	s11 =	sld [smem:$0x3F73]  }
0x1ca: {  	s31 =	simm.s32 $0x1;
	s2 =	sadd.s32 s3, s2;
	s9 =	sld [smem:$0x3F76]  }
0x1cb: {  	s2 =	sadd.s32 s4, s2;
	s4 =	sld [smem:$0x107];
	s28 =	simm.s32 @!p0 $0x0  }
0x1cc: {  	p0 =	seq.s32 s8, $0x1;
	s6 =	sadd.s32 s12, s6;
	s12 =	sld [smem:$0x3F74]  }
0x1cd: {  	s8 =	sld [smem:$0x3F75];
	s29 =	simm.s32 @!p0 $0x0;
	p0 =	seq.s32 s10, $0x1  }
0x1ce: {  	s6 =	sadd.s32 s13, s6;
	s13 =	simm.s32 $0x1;
	s10 =	sld [smem:$0x3F77]  }
0x1cf: {  	s30 =	simm.s32 @!p0 $0x0;
	s6 =	sadd.s32 s14, s6;
	s14 =	simm.s32 $0x1  }
0x1d0: {  	p0 =	seq.s32 s11, $0x1;
	s6 =	sadd.s32 s15, s6;
	s11 =	sld [smem:$0x3F78]  }
0x1d1: {  	s15 =	sld [smem:$0x3F7A];
	p3 =	sle.f32 s4, s5;
	s4 =	simm.s32 $0x1  }
0x1d2: {  	s31 =	simm.s32 @!p0 $0x0;
	p0 =	seq.s32 s12, $0x1;
	s12 =	sld [smem:$0x3F79]  }
0x1d3: {  	s6 =	sadd.s32 s16, s6;
	s16 =	sld [smem:$0x3F7B];
	s0 =	simm.s32 @!p0 $0x0  }
0x1d4: {  	p0 =	seq.s32 s8, $0x1;
	s8 =	simm.s32 $0x1;
	s6 =	sadd.s32 s17, s6  }
0x1d5: {  	s17 =	sld [smem:$0x3F7C];
	s13 =	simm.s32 @!p0 $0x0;
	p0 =	seq.s32 s9, $0x1  }
0x1d6: {  	s9 =	simm.s32 $0x1;
	s6 =	sadd.s32 s18, s6;
	s14 =	simm.s32 @!p0 $0x0  }
0x1d7: {  	p0 =	seq.s32 s10, $0x1;
	s10 =	simm.s32 $0x1;
	s6 =	sadd.s32 s19, s6  }
0x1d8: {  	s19 =	sld [smem:$0x3F7D];
	s8 =	simm.s32 @!p0 $0x0;
	p0 =	seq.s32 s11, $0x1  }
0x1d9: {  	s11 =	simm.s32 $0x1;
	s6 =	sadd.s32 s24, s6;
	s24 =	sld [smem:$0x3F81]  }
0x1da: {  	s9 =	simm.s32 @!p0 $0x0;
	p0 =	seq.s32 s12, $0x1;
	s12 =	simm.s32 $0x1  }
0x1db: {  	s18 =	sadd.s32 s25, s6;
	s6 =	simm.s32 $0x1;
	s25 =	sld [smem:$0x3F82]  }
0x1dc: {  	s10 =	simm.s32 @!p0 $0x0;
	p0 =	seq.s32 s15, $0x1;
	s15 =	sadd.s32 s20, s18  }
0x1dd: {  	s20 =	sld [smem:$0x3F7E];
	s18 =	simm.s32 $0x1;
	s11 =	simm.s32 @!p0 $0x0  }
0x1de: {  	p0 =	seq.s32 s16, $0x1;
	s16 =	simm.s32 $0x1;
	s15 =	sadd.s32 s21, s15  }
0x1df: {  	s21 =	sld [smem:$0x3F7F];
	s12 =	simm.s32 @!p0 $0x0;
	p0 =	seq.s32 s17, $0x1  }
0x1e0: {  	s17 =	simm.s32 $0x1;
	s15 =	sadd.s32 s22, s15;
	s22 =	sld [smem:$0x3F80]  }
0x1e1: {  	s7 =	simm.s32 @!p0 $0x0;
	p0 =	seq.s32 s19, $0x1;
	s15 =	sadd.s32 s23, s15  }
0x1e2: {  	s19 =	simm.s32 $0x1;
	s23 =	simm.s32 $0x1;
	s6 =	simm.s32 @!p0 $0x0  }
0x1e3: {  	p0 =	seq.s32 s20, $0x1;
	s15 =	sadd.s32 s26, s15;
	s20 =	simm.s32 $0x1  }
0x1e4: {  	s26 =	sld [smem:$0x3F83];
	s16 =	simm.s32 @!p0 $0x0;
	p0 =	seq.s32 s21, $0x1  }
0x1e5: {  	s15 =	sadd.s32 s28, s15;
	s21 =	simm.s32 $0x1;
	s28 =	sld [smem:$0x3F84]  }
0x1e6: {  	s17 =	simm.s32 @!p0 $0x0;
	p0 =	seq.s32 s22, $0x1;
	s15 =	sadd.s32 s29, s15  }
0x1e7: {  	s22 =	simm.s32 $0x1;
	s29 =	sld [smem:$0x3F85];
	s18 =	simm.s32 @!p0 $0x0  }
0x1e8: {  	p0 =	seq.s32 s24, $0x1;
	s15 =	sadd.s32 s30, s15;
	s24 =	simm.s32 $0x1  }
0x1e9: {  	s30 =	sld [smem:$0x3F86];
	s16 =	sadd.s32 s17, s16;
	s17 =	simm.s32 $0x1  }
0x1ea: {  	s19 =	simm.s32 @!p0 $0x0;
	p0 =	seq.s32 s25, $0x1;
	s15 =	sadd.s32 s31, s15  }
0x1eb: {  	s31 =	sld [smem:$0x3F87];
	s16 =	sadd.s32 s18, s16;
	s18 =	simm.s32 $0x1  }
0x1ec: {  	s25 =	sld [smem:$0xA3];
	s20 =	simm.s32 @!p0 $0x0;
	p0 =	seq.s32 s26, $0x1  }
0x1ed: {  	s0 =	sadd.s32 s0, s15;
	s15 =	simm.s32 $0x1;
	s26 =	sld [smem:$0x3F88]  }
0x1ee: {  	s16 =	sadd.s32 s19, s16;
	s19 =	simm.s32 $0x1;
	s21 =	simm.s32 @!p0 $0x0  }
0x1ef: {  	p0 =	seq.s32 s28, $0x1;
	s0 =	sadd.s32 s13, s0;
	s13 =	simm.s32 $0x1  }
0x1f0: {  	s28 =	sld [smem:$0x3F89];
	s16 =	sadd.s32 s20, s16;
	s20 =	simm.s32 $0x1  }
0x1f1: {  	s22 =	simm.s32 @!p0 $0x0;
	p0 =	seq.s32 s29, $0x1;
	s0 =	sadd.s32 s14, s0  }
0x1f2: {  	s14 =	simm.s32 $0x1;
	s29 =	sld [smem:$0x3F8A];
	s16 =	sadd.s32 s21, s16  }
0x1f3: {  	s21 =	simm.s32 $0x1;
	s23 =	simm.s32 @!p0 $0x0;
	p0 =	seq.s32 s30, $0x1  }
0x1f4: {  	s30 =	sld [smem:$0x3F8B];
	s16 =	sadd.s32 s22, s16;
	s22 =	simm.s32 $0x1  }
0x1f5: {  	s0 =	sadd.s32 s8, s0;
	s8 =	sld [smem:$0xAF];
	s24 =	simm.s32 @!p0 $0x0  }
0x1f6: {  	p0 =	seq.s32 s31, $0x1;
	s31 =	sld [smem:$0x3F8C];
	s16 =	sadd.s32 s23, s16  }
0x1f7: {  	s23 =	simm.s32 $0x1;
	s0 =	sadd.s32 s9, s0;
	s9 =	simm.s32 $0x1  }
0x1f8: {  	s15 =	simm.s32 @!p0 $0x0;
	p0 =	seq.s32 s26, $0x1;
	s26 =	sld [smem:$0x3F8D]  }
0x1f9: {  	s16 =	sadd.s32 s24, s16;
	s24 =	simm.s32 $0x1;
	s0 =	sadd.s32 s10, s0  }
0x1fa: {  	s10 =	simm.s32 $0x1;
	s13 =	simm.s32 @!p0 $0x0;
	p0 =	seq.s32 s28, $0x1  }
0x1fb: {  	s28 =	sld [smem:$0x3F8E];
	s15 =	sadd.s32 s15, s16;
	s16 =	simm.s32 $0x1  }
0x1fc: {  	s0 =	sadd.s32 s11, s0;
	s14 =	simm.s32 @!p0 $0x0;
	p0 =	seq.s32 s29, $0x1  }
0x1fd: {  	s29 =	sld [smem:$0x3F8F];
	s13 =	sadd.s32 s13, s15;
	s17 =	simm.s32 @!p0 $0x0  }
0x1fe: {  	p0 =	seq.s32 s30, $0x1;
	s30 =	sld [smem:$0x3F90];
	s13 =	sadd.s32 s14, s13  }
0x1ff: {  	s18 =	simm.s32 @!p0 $0x0;
	p0 =	seq.s32 s31, $0x1;
	s31 =	sld [smem:$0x3F91]  }
0x200: {  	s13 =	sadd.s32 s17, s13;
	s19 =	simm.s32 @!p0 $0x0;
	p0 =	seq.s32 s26, $0x1  }
0x201: {  	s26 =	sld [smem:$0x3F92];
	s13 =	sadd.s32 s18, s13;
	s20 =	simm.s32 @!p0 $0x0  }
0x202: {  	p0 =	seq.s32 s28, $0x1;
	s28 =	sld [smem:$0x3F93];
	s19 =	sadd.s32 s19, s13  }
0x203: {  	s21 =	simm.s32 @!p0 $0x0;
	p0 =	seq.s32 s29, $0x1;
	s29 =	sld [smem:$0x3F94]  }
0x204: {  	s15 =	simm.s32 $0x1;
	s20 =	sadd.s32 s20, s19;
	s19 =	sld [smem:$0xAB]  }
0x205: {  	s22 =	simm.s32 @!p0 $0x0;
	p0 =	seq.s32 s30, $0x1;
	s30 =	sld [smem:$0x3F95]  }
0x206: {  	s0 =	sadd.s32 s12, s0;
	s21 =	sadd.s32 s21, s20;
	s20 =	sld [smem:$0xA7]  }
0x207: {  	s23 =	simm.s32 @!p0 $0x0;
	p0 =	seq.s32 s31, $0x1;
	s31 =	sld [smem:$0x3F96]  }
0x208: {  	s12 =	simm.s32 $0x1;
	s3 =	sadd.s32 s22, s21;
	s21 =	sld [smem:$0xBB]  }
0x209: {  	s14 =	simm.s32 $0x1;
	s0 =	sadd.s32 s7, s0;
	s22 =	sld [smem:$0xB7]  }
0x20a: {  	s24 =	simm.s32 @!p0 $0x0;
	p0 =	seq.s32 s26, $0x1;
	s26 =	sld [smem:$0x9F]  }
0x20b: {  	s7 =	simm.s32 $0x1;
	s3 =	sadd.s32 s23, s3;
	s23 =	sld [smem:$0xB3]  }
0x20c: {  	s17 =	simm.s32 $0x1;
	s3 =	sadd.s32 s24, s3;
	s24 =	sld [smem:$0x3F97]  }
0x20d: {  	s16 =	simm.s32 @!p0 $0x0;
	p0 =	seq.s32 s28, $0x1;
	s28 =	sld [smem:$0x9B]  }
0x20e: {  	s15 =	simm.s32 @!p0 $0x0;
	p0 =	seq.s32 s29, $0x1;
	s29 =	sld [smem:$0x3F98]  }
0x20f: {  	s3 =	sadd.s32 s16, s3;
	s16 =	sld [smem:$0x3F99];
	s14 =	simm.s32 @!p0 $0x0  }
0x210: {  	p0 =	seq.s32 s30, $0x1;
	s3 =	sadd.s32 s15, s3;
	s15 =	sld [smem:$0x97]  }
0x211: {  	s17 =	simm.s32 @!p0 $0x0;
	p0 =	seq.s32 s31, $0x1;
	s31 =	sld [smem:$0x93]  }
0x212: {  	s18 =	simm.s32 $0x1;
	s3 =	sadd.s32 s14, s3;
	s14 =	sld [smem:$0xEB]  }
0x213: {  	s18 =	simm.s32 @!p0 $0x0;
	s30 =	sadd.s32 s17, s3;
	s17 =	sld [smem:$0x3F9A]  }
0x214: {  	p0 =	seq.s32 s24, $0x1;
	s3 =	sadd.s32 s6, s0;
	s24 =	sld [smem:$0xC7]  }
0x215: {  	s9 =	simm.s32 @!p0 $0x0;
	p0 =	seq.s32 s29, $0x1;
	s29 =	sld [smem:$0xCF]  }
0x216: {  	s13 =	sadd.s32 s18, s30;
	s30 =	sld [smem:$0xCB];
	s12 =	simm.s32 @!p0 $0x0  }
0x217: {  	s0 =	sadd.s32 s9, s13;
	s9 =	simm.s32 $0x1;
	p0 =	seq.s32 s16, $0x1  }
0x218: {  	s13 =	simm.s32 $0x1;
	p1 =	sle.f32 s15, s5;
	s15 =	sld [smem:$0xE7]  }
0x219: {  	s16 =	sld [smem:$0xE3];
	s9 =	simm.s32 @!p0 $0x0;
	s0 =	sadd.s32 s12, s0  }
0x21a: {  	s12 =	simm.s32 $0x1;
	s13 =	simm.s32 @!p4 $0x0;
	p0 =	seq.s32 s17, $0x1  }
0x21b: {  	s0 =	sadd.s32 s9, s0;
	s9 =	simm.s32 $0x1;
	s17 =	sld [smem:$0xF7]  }
0x21c: {  	s12 =	simm.s32 @!p0 $0x0;
	s9 =	simm.s32 @!p6 $0x0;
	p0 =	sle.f32 s31, s5  }
0x21d: {  	s31 =	sld [smem:$0xDF];
	s0 =	sadd.s32 s12, s0;
	s12 =	simm.s32 $0x1  }
0x21e: {  	s0 =	sadd.s32 s9, s0;
	s9 =	simm.s32 $0x1;
	s12 =	simm.s32 @!p1 $0x0  }
0x21f: {  	p1 =	sle.f32 s26, s5;
	s26 =	sld [smem:$0xBF];
	s6 =	sadd.s32 s13, s0  }
0x220: {  	s9 =	simm.s32 @!p0 $0x0;
	p0 =	sle.f32 s28, s5;
	s28 =	sld [smem:$0xD3]  }
0x221: {  	s13 =	sld [smem:$0xD7];
	s18 =	sadd.s32 s12, s9;
	s10 =	simm.s32 @!p1 $0x0  }
0x222: {  	p1 =	sle.f32 s19, s5;
	s9 =	simm.s32 $0x1;
	s12 =	sld [smem:$0xDB]  }
0x223: {  	s19 =	sld [smem:$0xEF];
	s7 =	simm.s32 @!p0 $0x0;
	p0 =	sle.f32 s25, s5  }
0x224: {  	s25 =	sld [smem:$0xC3];
	s0 =	sadd.s32 s7, s18;
	s7 =	simm.s32 $0x1  }
0x225: {  	s18 =	sld [smem:$0xF3];
	s7 =	simm.s32 @!p0 $0x0;
	p0 =	sle.f32 s20, s5  }
0x226: {  	s0 =	sadd.s32 s10, s0;
	s10 =	simm.s32 $0x1;
	s20 =	sld [smem:$0x103]  }
0x227: {  	s0 =	sadd.s32 s7, s0;
	s7 =	simm.s32 $0x1;
	s9 =	simm.s32 @!p0 $0x0  }
0x228: {  	p0 =	sle.f32 s8, s5;
	s8 =	simm.s32 $0x1;
	s0 =	sadd.s32 s9, s0  }
0x229: {  	s8 =	simm.s32 @!p1 $0x0;
	s9 =	simm.s32 $0x1;
	p1 =	sle.f32 s22, s5  }
0x22a: {  	s22 =	sld [smem:$0xFB];
	s0 =	sadd.s32 s8, s0;
	s9 =	simm.s32 @!p0 $0x0  }
0x22b: {  	p0 =	sle.f32 s23, s5;
	s8 =	simm.s32 $0x1;
	s23 =	sld [smem:$0x10B]  }
0x22c: {  	p2 =	sle.f32 s20, s5;
	s0 =	sadd.s32 s9, s0;
	s10 =	simm.s32 @!p1 $0x0  }
0x22d: {  	p1 =	sle.f32 s25, s5;
	s7 =	simm.s32 @!p0 $0x0;
	p0 =	sle.f32 s21, s5  }
0x22e: {  	s9 =	simm.s32 $0x1;
	s0 =	sadd.s32 s7, s0;
	s7 =	simm.s32 $0x1  }
0x22f: {  	s21 =	sld [smem:$0xFF];
	s7 =	simm.s32 @!p0 $0x0;
	p0 =	sle.f32 s26, s5  }
0x230: {  	s8 =	simm.s32 @!p1 $0x0;
	p1 =	sle.f32 s29, s5;
	s0 =	sadd.s32 s10, s0  }
0x231: {  	s0 =	sadd.s32 s7, s0;
	s9 =	simm.s32 @!p0 $0x0;
	p0 =	sle.f32 s24, s5  }
0x232: {  	s10 =	simm.s32 $0x1;
	s0 =	sadd.s32 s9, s0;
	s9 =	simm.s32 $0x1  }
0x233: {  	s7 =	simm.s32 $0x1;
	s9 =	simm.s32 @!p0 $0x0;
	p0 =	sle.f32 s30, s5  }
0x234: {  	s10 =	simm.s32 @!p1 $0x0;
	p1 =	sle.f32 s12, s5;
	s0 =	sadd.s32 s8, s0  }
0x235: {  	s0 =	sadd.s32 s9, s0;
	s7 =	simm.s32 @!p0 $0x0;
	p0 =	sle.f32 s28, s5  }
0x236: {  	s24 =	sld [smem:$0x10F];
	s0 =	sadd.s32 s7, s0;
	s7 =	simm.s32 $0x1  }
0x237: {  	s8 =	simm.s32 $0x1;
	s7 =	simm.s32 @!p0 $0x0;
	p0 =	sle.f32 s13, s5  }
0x238: {  	s9 =	simm.s32 $0x1;
	s8 =	simm.s32 @!p1 $0x0;
	s0 =	sadd.s32 s10, s0  }
0x239: {  	s0 =	sadd.s32 s7, s0;
	s9 =	simm.s32 @!p0 $0x0;
	p0 =	sle.f32 s31, s5  }
0x23a: {  	p1 =	sle.f32 s15, s5;
	s0 =	sadd.s32 s9, s0;
	s9 =	simm.s32 $0x1  }
0x23b: {  	s10 =	simm.s32 $0x1;
	s9 =	simm.s32 @!p0 $0x0;
	p0 =	sle.f32 s16, s5  }
0x23c: {  	s7 =	simm.s32 $0x1;
	s10 =	simm.s32 @!p1 $0x0;
	s0 =	sadd.s32 s8, s0  }
0x23d: {  	s0 =	sadd.s32 s9, s0;
	s7 =	simm.s32 @!p0 $0x0;
	p0 =	sle.f32 s14, s5  }
0x23e: {  	p1 =	sle.f32 s18, s5;
	s0 =	sadd.s32 s7, s0;
	s7 =	simm.s32 $0x1  }
0x23f: {  	s8 =	simm.s32 $0x1;
	s7 =	simm.s32 @!p0 $0x0;
	p0 =	sle.f32 s19, s5  }
0x240: {  	s9 =	simm.s32 $0x1;
	s8 =	simm.s32 @!p1 $0x0;
	s0 =	sadd.s32 s10, s0  }
0x241: {  	s0 =	sadd.s32 s7, s0;
	s9 =	simm.s32 @!p0 $0x0;
	p0 =	sle.f32 s17, s5  }
0x242: {  	p1 =	sle.f32 s21, s5;
	s0 =	sadd.s32 s9, s0;
	s9 =	simm.s32 $0x1  }
0x243: {  	p4 =	sle.f32 s23, s5;
	s9 =	simm.s32 @!p0 $0x0;
	p0 =	sle.f32 s22, s5  }
0x244: {  	s4 =	simm.s32 @!p1 $0x0;
	s7 =	simm.s32 $0x1;
	s0 =	sadd.s32 s8, s0  }
0x245: {  	s0 =	sadd.s32 s9, s0;
	s7 =	simm.s32 @!p0 $0x0;
	p0 =	sle.f32 s24, s5  }
0x246: {  	s5 =	simm.s32 $0x1;
	s0 =	sadd.s32 s7, s0;
	s7 =	simm.s32 $0x1  }
0x247: {  	s5 =	simm.s32 @!p2 $0x0;
	s7 =	simm.s32 @!p3 $0x0;
	s0 =	sadd.s32 s4, s0  }
0x248: {  	s4 =	simm.s32 $0x1;
	s0 =	sadd.s32 s5, s0;
	s5 =	simm.s32 $0x1  }
0x249: {  	s4 =	simm.s32 @!p5 $0x0;
	s0 =	sadd.s32 s7, s0;
	s5 =	simm.s32 @!p4 $0x0  }
0x24a: {  	s4 =	sadd.s32 s4, s6;
	s0 =	sadd.s32 s5, s0;
	s5 =	simm.s32 $0x1  }
0x24b: {  	s3 =	sshll.u32 s3, $0x11;
	s4 =	sshll.u32 s4, $0xC;
	s5 =	simm.s32 @!p0 $0x0  }
0x24c: {  	s2 =	sshll.u32 s2, $0x16;
	s3 =	sadd.s32 s4, s3;
	s0 =	sadd.s32 s5, s0  }
0x24d: {  	s2 =	sadd.s32 s3, s2;
	s0 =	sshll.u32 s0, $0x7  }
0x24e: {  	s2 =	sadd.s32 s0, s2  }
0x24f: {  	s26 =	sld [smem:$0x3FD0];
	s0 =	sand.u32 $0x380, s0;
	s2 =	sand.u32 $0x7FFFFC00, s2  }
0x250: {  	s0 =	sor.u32 s0, s2  }
0x251: {  	s0 =	sshrl.u32 s0, $0x3  }
0x252: {  	s25 =	simm.s32 $0xB;
	s0 =	sadd.s32 s1, s0  }
0x253: {  	[hbm:s26], [sflag:s25] =	dma.local [hbm:s0], $0x10  }
0x254: {  	_ =	swait.ge [sflag:s25], $0x10  }
0x255: {  	[sflag:s25] =	ssyncset.done $0x0  }
0x256: {  	[sflag:s25] =	ssyncadd.s32 $0xFFFFFFF0  }
0x257: {  	_ =	strace $0x90000046  }
0x258: {  	_ =	sfence  }
0x259: {  	s28 =	sld [smem:$0x0];
	_ =	sdelay $0x1  }
0x25a: {  	s29 =	srdreg.scid  }
0x25b: {  	s30 =	sshll.u32 s29, $0xD;
	s31 =	sshrl.u32 s29, $0x2  }
0x25c: {  	s2 =	sand.u32 $0x4000, s30;
	s1 =	sand.u32 $0x1, s29;
	s0 =	sadd.s32 s31, s28  }
0x25d: {  	s1 =	sor.u32 s2, s1;
	s0 =	sshll.u32 s0, $0x11  }
0x25e: {  	s0 =	sor.u32 s0, s1  }
0x25f: {  	s0 =	sadd.s32 $0x8F2B, s0;
	(pc) =	sbr.abs _section_cstart, $3  }
0x260: {  	[sflag:s0] =	ssyncadd.remote.s32 $0x1  }
0x261: {  	_ =	strace $0x9FFFFFFF  }
0x262: {  	(tm) =	ssettm $0x7FFFFFFF  }
0x263: {  	_ =	shalt  }

</sc_bundles>
